<compile_context>
chip_gen: v7x
topology: tpu7x:2x2x1
jax: 0.10.2.dev20260603
libtpu: 0.0.44.dev20260713+nightly
codegen_flags: <defaults>
</compile_context>

<pallas_src>
import functools

import jax
import jax.numpy as jnp
from jax import lax
from jax.experimental import pallas as pl
from jax.experimental.pallas import tpu as pltpu
from jax.experimental.pallas import tpu_sc as plsc

_VOCAB = 100000
_VOCAB_PAD = 102400
_EMBED = 32
_B = 4
_D = 64
_HW = 64 * 64
_SPATIAL = _D * _HW
_NCHUNKS = _B * _D


def _retile_table(table_t2d):
    cols = 4096
    grid = _VOCAB_PAD // cols

    def body(in_ref, out_ref):
        out_ref[...] = in_ref[...].reshape(_EMBED, cols // 128, 128)

    return pl.pallas_call(
        body,
        grid=(grid,),
        in_specs=[pl.BlockSpec((_EMBED, cols), lambda g: (0, g))],
        out_specs=pl.BlockSpec(
            (_EMBED, cols // 128, 128), lambda g: (0, g, 0)
        ),
        out_shape=jax.ShapeDtypeStruct(
            (_EMBED, _VOCAB_PAD // 128, 128), jnp.float32
        ),
    )(table_t2d)


def _sc_lookup(table_t, idx):
    mesh = plsc.VectorSubcoreMesh(core_axis_name="c", subcore_axis_name="s")

    @functools.partial(
        pl.kernel,
        mesh=mesh,
        compiler_params=pltpu.CompilerParams(
            use_tc_tiling_on_sc=True, needs_layout_passes=False
        ),
        out_type=jax.ShapeDtypeStruct((_B, _EMBED, _D, 64, 64), jnp.float32),
        scratch_types=[
            pltpu.VMEM((_VOCAB_PAD // 128, 128), jnp.float32),
            pltpu.VMEM((32, 128), jnp.int32),
            pltpu.VMEM((32, 128), jnp.int32),
            pltpu.VMEM((64, 64), jnp.float32),
            pltpu.VMEM((64, 64), jnp.float32),
            pltpu.VMEM_SHARED((2, 32, 128), jnp.int32),
            pltpu.SemaphoreType.DMA,
            (pltpu.SemaphoreType.DMA,) * 2,
            (pltpu.SemaphoreType.DMA,) * 2,
            (pltpu.SemaphoreType.DMA,) * 2,
        ],
    )
    def k(table_t_hbm, idx_hbm, out_hbm, row_v, idx_v0, idx_v1,
          val_v0, val_v1, idx_sh, row_sem, lead_sems, in_sems, out_sems):
        c = lax.axis_index("c")
        s = lax.axis_index("s")
        e = s * 2 + c
        is_leader = s == 0
        row_copy = pltpu.make_async_copy(table_t_hbm.at[e], row_v, row_sem)
        row_copy.start()
        idx_bufs = (idx_v0, idx_v1)
        val_bufs = (val_v0, val_v1)

        def lead_fetch(g, p):
            pltpu.make_async_copy(
                idx_hbm.at[g], idx_sh.at[p], lead_sems[p]
            ).start()

        def lead_wait(g, p):
            pltpu.make_async_copy(
                idx_hbm.at[g], idx_sh.at[p], lead_sems[p]
            ).wait()

        def local_fetch(p):
            pltpu.make_async_copy(
                idx_sh.at[p], idx_bufs[p], in_sems[p]
            ).start()

        def local_wait(p):
            pltpu.make_async_copy(
                idx_sh.at[p], idx_bufs[p], in_sems[p]
            ).wait()

        def out_slot(g):
            b = g // _D
            d = g % _D
            return out_hbm.at[b, e, d]

        def start_out(g, buf, sem):
            pltpu.make_async_copy(buf, out_slot(g), sem).start()

        def wait_out(g, buf, sem):
            pltpu.make_async_copy(buf, out_slot(g), sem).wait()

        def gather(ibuf, vbuf):
            @plsc.parallel_loop(0, _HW // 16, unroll=16)
            def _(i):
                ids = ibuf[i // 8, pl.ds((i % 8) * 16, 16)]
                h = i // 4
                w0 = (i % 4) * 16
                vbuf[h, pl.ds(w0, 16)] = plsc.load_gather(
                    row_v, [ids >> 7, ids & 127]
                )

        @pl.when(is_leader)
        def _():
            lead_fetch(0, 0)
        row_copy.wait()

        @pl.when(is_leader)
        def _():
            lead_wait(0, 0)
        plsc.subcore_barrier()
        local_fetch(0)

        @pl.when(is_leader)
        def _():
            lead_fetch(1, 1)

        def chunk_pair(h, carry):
            g0 = 2 * h
            g1 = g0 + 1
            last = h + 1 == _NCHUNKS // 2

            @pl.when(is_leader)
            def _():
                lead_wait(g1, 1)
            local_wait(0)
            plsc.subcore_barrier()
            local_fetch(1)

            @pl.when(is_leader & jnp.logical_not(last))
            def _():
                lead_fetch(g0 + 2, 0)

            @pl.when(h > 0)
            def _():
                wait_out(g0 - 2, val_bufs[0], out_sems[0])
            gather(idx_bufs[0], val_bufs[0])
            start_out(g0, val_bufs[0], out_sems[0])

            @pl.when(is_leader & jnp.logical_not(last))
            def _():
                lead_wait(g0 + 2, 0)
            local_wait(1)
            plsc.subcore_barrier()

            @pl.when(jnp.logical_not(last))
            def _():
                local_fetch(0)

            @pl.when(is_leader & jnp.logical_not(last))
            def _():
                lead_fetch(g1 + 2, 1)

            @pl.when(h > 0)
            def _():
                wait_out(g1 - 2, val_bufs[1], out_sems[1])
            gather(idx_bufs[1], val_bufs[1])
            start_out(g1, val_bufs[1], out_sems[1])
            return carry

        lax.fori_loop(0, _NCHUNKS // 2, chunk_pair, 0)
        wait_out(_NCHUNKS - 2, val_bufs[0], out_sems[0])
        wait_out(_NCHUNKS - 1, val_bufs[1], out_sems[1])

    return k(table_t, idx)


def kernel(x, table):
    idx = x[:, 0].reshape(_NCHUNKS, 32, 128).astype(jnp.int32)
    table_t = _retile_table(jnp.swapaxes(table, 0, 1))
    return _sc_lookup(table_t, idx)

# --- scband reference (transcript-rebuilt; emitter-appended) ---
"""Pipeline reference for scband-embedding-wrapper-83562883711015 (READ-ONLY COPY).

The authoritative reference and input builder live on the scoring server;
editing this copy changes nothing except your own understanding.
"""

import jax, jax.numpy as jnp
import numpy as np

VOCAB = 100000
EMBED_DIM = 32

def setup_inputs(seed: int = 0) -> dict:
    key = jax.random.key(seed)
    k1, k2 = jax.random.split(key)
    x = jax.random.randint(k1, (4, 1, 64, 64, 64), 0, VOCAB, dtype=jnp.int64 if jax.config.jax_enable_x64 else jnp.int32)
    table = jax.random.normal(k2, (VOCAB, EMBED_DIM), dtype=jnp.float32)
    return {"x": x, "table": table}

def reference(x, table):
    # EmbeddingWrapper.prepare_input: drop channel dim, embed, move embed dim to channel position.
    # Original forward then calls self.autoencoder(x_emb); the autoencoder is an opaque
    # external dependency (modeled as identity), so the embedding-lookup stage is the output.
    assert x.ndim == 5
    idx = x[:, 0]                       # [B, D, H, W]
    emb = jnp.take(table, idx, axis=0)  # [B, D, H, W, E] gather (embedding lookup)
    out = jnp.moveaxis(emb, emb.ndim - 1, 1)  # [B, E, D, H, W]
    return out

if __name__ == "__main__":
    import jax
    _d = setup_inputs()
    print(jax.jit(kernel)(*tuple(_d.values())))

</pallas_src>

<mosaic_0001>
#map = affine_map<(d0, d1) -> (0, 0, 0)>
#map1 = affine_map<(d0, d1) -> (0, 0, 0, 0, 0)>
module attributes {stable_mosaic.version = 14 : i64} {
  func.func @k(%arg0: i32, %arg1: i32, %arg2: memref<32x800x128xf32, #tpu.memory_space<hbm>>, %arg3: memref<256x32x128xi32, #tpu.memory_space<hbm>>, %arg4: memref<4x32x64x64x64xf32, #tpu.memory_space<hbm>>, %arg5: memref<800x128xf32, #tpu.memory_space<vmem>>, %arg6: memref<32x128xi32, #tpu.memory_space<vmem>>, %arg7: memref<32x128xi32, #tpu.memory_space<vmem>>, %arg8: memref<64x64xf32, #tpu.memory_space<vmem>>, %arg9: memref<64x64xf32, #tpu.memory_space<vmem>>, %arg10: memref<2x32x128xi32, #tpu.memory_space<vmem_shared>>, %arg11: memref<!tpu.dma_semaphore, #tpu.memory_space<semaphore_mem>>, %arg12: memref<!tpu.dma_semaphore, #tpu.memory_space<semaphore_mem>>, %arg13: memref<!tpu.dma_semaphore, #tpu.memory_space<semaphore_mem>>, %arg14: memref<!tpu.dma_semaphore, #tpu.memory_space<semaphore_mem>>, %arg15: memref<!tpu.dma_semaphore, #tpu.memory_space<semaphore_mem>>, %arg16: memref<!tpu.dma_semaphore, #tpu.memory_space<semaphore_mem>>, %arg17: memref<!tpu.dma_semaphore, #tpu.memory_space<semaphore_mem>>) attributes {dimension_semantics = [#tpu.dimension_semantics<core_parallel>, #tpu.dimension_semantics<subcore_parallel>], iteration_bounds = array<i64: 2, 16>, scalar_prefetch = 0 : i64, scratch_operands = 13 : i64, tpu.core_type = #tpu.core_type<sc_vector_subcore>, window_params = [{transform_indices = #map}, {transform_indices = #map}, {transform_indices = #map1}]} {
    %mul3A = arith.constant 2 : i32
    %mul3A_0 = arith.muli %arg1, %mul3A : i32
    %add3A = arith.addi %mul3A_0, %arg0 : i32
    %eq3A = arith.constant 0 : i32
    %eq3A_1 = arith.cmpi eq, %arg1, %eq3A : i32
    %dma_start3A = arith.constant 0 : i32
    %dma_start3A_2 = arith.constant 0 : i32
    %dma_start3A_3 = tpu.memref_slice %arg2[%add3A, %dma_start3A, %dma_start3A_2] : memref<32x800x128xf32, #tpu.memory_space<hbm>> -> memref<1x800x128xf32, #tpu.memory_space<hbm>>
    %dma_start3A_4 = tpu.memref_squeeze %dma_start3A_3 : memref<1x800x128xf32, #tpu.memory_space<hbm>> -> memref<800x128xf32, #tpu.memory_space<hbm>>
    %dma_start3A_5 = arith.constant 0 : i32
    %dma_start3A_6 = arith.constant 0 : i32
    %dma_start3A_7 = tpu.memref_slice %arg2[%add3A, %dma_start3A_5, %dma_start3A_6] : memref<32x800x128xf32, #tpu.memory_space<hbm>> -> memref<1x800x128xf32, #tpu.memory_space<hbm>>
    %dma_start3A_8 = tpu.memref_squeeze %dma_start3A_7 : memref<1x800x128xf32, #tpu.memory_space<hbm>> -> memref<800x128xf32, #tpu.memory_space<hbm>>
    tpu.enqueue_dma source(%dma_start3A_8 : memref<800x128xf32, #tpu.memory_space<hbm>>) target(%arg5 : memref<800x128xf32, #tpu.memory_space<vmem>>) target_semaphore(%arg11 : memref<!tpu.dma_semaphore, #tpu.memory_space<semaphore_mem>>)
    %convert_element_type3A = arith.extui %eq3A_1 : i1 to i32
    %cond3A = arith.constant 0 : i32
    %cond3A_9 = arith.cmpi ne, %convert_element_type3A, %cond3A : i32
    scf.if %cond3A_9 {
      %dma_start3A_57 = arith.constant 0 : i32
      %dma_start3A_58 = arith.constant 0 : i32
      %dma_start3A_59 = arith.constant 0 : i32
      %dma_start3A_60 = arith.constant 0 : i32
      %dma_start3A_61 = tpu.memref_slice %arg10[%dma_start3A_58, %dma_start3A_59, %dma_start3A_60] : memref<2x32x128xi32, #tpu.memory_space<vmem_shared>> -> memref<1x32x128xi32, #tpu.memory_space<vmem_shared>>
      %dma_start3A_62 = tpu.memref_squeeze %dma_start3A_61 : memref<1x32x128xi32, #tpu.memory_space<vmem_shared>> -> memref<32x128xi32, #tpu.memory_space<vmem_shared>>
      %dma_start3A_63 = arith.constant 0 : i32
      %dma_start3A_64 = arith.constant 0 : i32
      %dma_start3A_65 = tpu.memref_slice %arg3[%dma_start3A_57, %dma_start3A_63, %dma_start3A_64] : memref<256x32x128xi32, #tpu.memory_space<hbm>> -> memref<1x32x128xi32, #tpu.memory_space<hbm>>
      %dma_start3A_66 = tpu.memref_squeeze %dma_start3A_65 : memref<1x32x128xi32, #tpu.memory_space<hbm>> -> memref<32x128xi32, #tpu.memory_space<hbm>>
      tpu.enqueue_dma source(%dma_start3A_66 : memref<32x128xi32, #tpu.memory_space<hbm>>) target(%dma_start3A_62 : memref<32x128xi32, #tpu.memory_space<vmem_shared>>) target_semaphore(%arg12 : memref<!tpu.dma_semaphore, #tpu.memory_space<semaphore_mem>>)
    } else {
    }
    %dma_wait3A = arith.constant 0 : i32
    %dma_wait3A_10 = arith.constant 0 : i32
    %dma_wait3A_11 = tpu.memref_slice %arg2[%add3A, %dma_wait3A, %dma_wait3A_10] : memref<32x800x128xf32, #tpu.memory_space<hbm>> -> memref<1x800x128xf32, #tpu.memory_space<hbm>>
    %dma_wait3A_12 = tpu.memref_squeeze %dma_wait3A_11 : memref<1x800x128xf32, #tpu.memory_space<hbm>> -> memref<800x128xf32, #tpu.memory_space<hbm>>
    %dma_wait3A_13 = arith.constant 0 : i32
    %dma_wait3A_14 = arith.constant 0 : i32
    %dma_wait3A_15 = tpu.memref_slice %arg2[%add3A, %dma_wait3A_13, %dma_wait3A_14] : memref<32x800x128xf32, #tpu.memory_space<hbm>> -> memref<1x800x128xf32, #tpu.memory_space<hbm>>
    %dma_wait3A_16 = tpu.memref_squeeze %dma_wait3A_15 : memref<1x800x128xf32, #tpu.memory_space<hbm>> -> memref<800x128xf32, #tpu.memory_space<hbm>>
    tpu.wait_dma2 semaphore(%arg11 : memref<!tpu.dma_semaphore, #tpu.memory_space<semaphore_mem>>) src(%dma_wait3A_16 : memref<800x128xf32, #tpu.memory_space<hbm>>) dst(%arg5 : memref<800x128xf32, #tpu.memory_space<vmem>>)
    %convert_element_type3A_17 = arith.extui %eq3A_1 : i1 to i32
    %cond3A_18 = arith.constant 0 : i32
    %cond3A_19 = arith.cmpi ne, %convert_element_type3A_17, %cond3A_18 : i32
    scf.if %cond3A_19 {
      %dma_wait3A_57 = arith.constant 0 : i32
      %dma_wait3A_58 = arith.constant 0 : i32
      %dma_wait3A_59 = arith.constant 0 : i32
      %dma_wait3A_60 = arith.constant 0 : i32
      %dma_wait3A_61 = tpu.memref_slice %arg10[%dma_wait3A_58, %dma_wait3A_59, %dma_wait3A_60] : memref<2x32x128xi32, #tpu.memory_space<vmem_shared>> -> memref<1x32x128xi32, #tpu.memory_space<vmem_shared>>
      %dma_wait3A_62 = tpu.memref_squeeze %dma_wait3A_61 : memref<1x32x128xi32, #tpu.memory_space<vmem_shared>> -> memref<32x128xi32, #tpu.memory_space<vmem_shared>>
      %dma_wait3A_63 = arith.constant 0 : i32
      %dma_wait3A_64 = arith.constant 0 : i32
      %dma_wait3A_65 = tpu.memref_slice %arg3[%dma_wait3A_57, %dma_wait3A_63, %dma_wait3A_64] : memref<256x32x128xi32, #tpu.memory_space<hbm>> -> memref<1x32x128xi32, #tpu.memory_space<hbm>>
      %dma_wait3A_66 = tpu.memref_squeeze %dma_wait3A_65 : memref<1x32x128xi32, #tpu.memory_space<hbm>> -> memref<32x128xi32, #tpu.memory_space<hbm>>
      tpu.wait_dma2 semaphore(%arg12 : memref<!tpu.dma_semaphore, #tpu.memory_space<semaphore_mem>>) src(%dma_wait3A_66 : memref<32x128xi32, #tpu.memory_space<hbm>>) dst(%dma_wait3A_62 : memref<32x128xi32, #tpu.memory_space<vmem_shared>>)
    } else {
    }
    %barrier3A = arith.constant 0 : index
    tpu.barrier barrier_id(%barrier3A)
    %dma_start3A_20 = arith.constant 0 : i32
    %dma_start3A_21 = arith.constant 0 : i32
    %dma_start3A_22 = arith.constant 0 : i32
    %dma_start3A_23 = tpu.memref_slice %arg10[%dma_start3A_20, %dma_start3A_21, %dma_start3A_22] : memref<2x32x128xi32, #tpu.memory_space<vmem_shared>> -> memref<1x32x128xi32, #tpu.memory_space<vmem_shared>>
    %dma_start3A_24 = tpu.memref_squeeze %dma_start3A_23 : memref<1x32x128xi32, #tpu.memory_space<vmem_shared>> -> memref<32x128xi32, #tpu.memory_space<vmem_shared>>
    %dma_start3A_25 = arith.constant 0 : i32
    %dma_start3A_26 = arith.constant 0 : i32
    %dma_start3A_27 = tpu.memref_slice %arg10[%dma_start3A_20, %dma_start3A_25, %dma_start3A_26] : memref<2x32x128xi32, #tpu.memory_space<vmem_shared>> -> memref<1x32x128xi32, #tpu.memory_space<vmem_shared>>
    %dma_start3A_28 = tpu.memref_squeeze %dma_start3A_27 : memref<1x32x128xi32, #tpu.memory_space<vmem_shared>> -> memref<32x128xi32, #tpu.memory_space<vmem_shared>>
    tpu.enqueue_dma source(%dma_start3A_28 : memref<32x128xi32, #tpu.memory_space<vmem_shared>>) target(%arg6 : memref<32x128xi32, #tpu.memory_space<vmem>>) target_semaphore(%arg14 : memref<!tpu.dma_semaphore, #tpu.memory_space<semaphore_mem>>)
    %convert_element_type3A_29 = arith.extui %eq3A_1 : i1 to i32
    %cond3A_30 = arith.constant 0 : i32
    %cond3A_31 = arith.cmpi ne, %convert_element_type3A_29, %cond3A_30 : i32
    scf.if %cond3A_31 {
      %dma_start3A_57 = arith.constant 1 : i32
      %dma_start3A_58 = arith.constant 1 : i32
      %dma_start3A_59 = arith.constant 0 : i32
      %dma_start3A_60 = arith.constant 0 : i32
      %dma_start3A_61 = tpu.memref_slice %arg10[%dma_start3A_58, %dma_start3A_59, %dma_start3A_60] : memref<2x32x128xi32, #tpu.memory_space<vmem_shared>> -> memref<1x32x128xi32, #tpu.memory_space<vmem_shared>>
      %dma_start3A_62 = tpu.memref_squeeze %dma_start3A_61 : memref<1x32x128xi32, #tpu.memory_space<vmem_shared>> -> memref<32x128xi32, #tpu.memory_space<vmem_shared>>
      %dma_start3A_63 = arith.constant 0 : i32
      %dma_start3A_64 = arith.constant 0 : i32
      %dma_start3A_65 = tpu.memref_slice %arg3[%dma_start3A_57, %dma_start3A_63, %dma_start3A_64] : memref<256x32x128xi32, #tpu.memory_space<hbm>> -> memref<1x32x128xi32, #tpu.memory_space<hbm>>
      %dma_start3A_66 = tpu.memref_squeeze %dma_start3A_65 : memref<1x32x128xi32, #tpu.memory_space<hbm>> -> memref<32x128xi32, #tpu.memory_space<hbm>>
      tpu.enqueue_dma source(%dma_start3A_66 : memref<32x128xi32, #tpu.memory_space<hbm>>) target(%dma_start3A_62 : memref<32x128xi32, #tpu.memory_space<vmem_shared>>) target_semaphore(%arg13 : memref<!tpu.dma_semaphore, #tpu.memory_space<semaphore_mem>>)
    } else {
    }
    %scan3A = arith.constant 0 : i32
    %scan3A_32 = arith.constant 0 : i32
    %scan3A_33 = arith.constant 128 : i32
    %scan3A_34 = arith.addi %scan3A_32, %scan3A_33 : i32
    %scan3A_35 = arith.constant 1 : i32
    scf.for %scan3A_57 = %scan3A_32 to %scan3A_34 step %scan3A_35  : i32 {
      %mul3A_58 = arith.constant 2 : i32
      %mul3A_59 = arith.muli %mul3A_58, %scan3A_57 : i32
      %add3A_60 = arith.constant 1 : i32
      %add3A_61 = arith.addi %mul3A_59, %add3A_60 : i32
      %add3A_62 = arith.constant 1 : i32
      %add3A_63 = arith.addi %scan3A_57, %add3A_62 : i32
      %eq3A_64 = arith.constant 128 : i32
      %eq3A_65 = arith.cmpi eq, %add3A_63, %eq3A_64 : i32
      %convert_element_type3A_66 = arith.extui %eq3A_1 : i1 to i32
      %cond3A_67 = arith.constant 0 : i32
      %cond3A_68 = arith.cmpi ne, %convert_element_type3A_66, %cond3A_67 : i32
      scf.if %cond3A_68 {
        %dma_wait3A_221 = arith.constant 1 : i32
        %dma_wait3A_222 = arith.constant 0 : i32
        %dma_wait3A_223 = arith.constant 0 : i32
        %dma_wait3A_224 = tpu.memref_slice %arg10[%dma_wait3A_221, %dma_wait3A_222, %dma_wait3A_223] : memref<2x32x128xi32, #tpu.memory_space<vmem_shared>> -> memref<1x32x128xi32, #tpu.memory_space<vmem_shared>>
        %dma_wait3A_225 = tpu.memref_squeeze %dma_wait3A_224 : memref<1x32x128xi32, #tpu.memory_space<vmem_shared>> -> memref<32x128xi32, #tpu.memory_space<vmem_shared>>
        %dma_wait3A_226 = arith.constant 0 : i32
        %dma_wait3A_227 = arith.constant 0 : i32
        %dma_wait3A_228 = tpu.memref_slice %arg3[%add3A_61, %dma_wait3A_226, %dma_wait3A_227] : memref<256x32x128xi32, #tpu.memory_space<hbm>> -> memref<1x32x128xi32, #tpu.memory_space<hbm>>
        %dma_wait3A_229 = tpu.memref_squeeze %dma_wait3A_228 : memref<1x32x128xi32, #tpu.memory_space<hbm>> -> memref<32x128xi32, #tpu.memory_space<hbm>>
        tpu.wait_dma2 semaphore(%arg13 : memref<!tpu.dma_semaphore, #tpu.memory_space<semaphore_mem>>) src(%dma_wait3A_229 : memref<32x128xi32, #tpu.memory_space<hbm>>) dst(%dma_wait3A_225 : memref<32x128xi32, #tpu.memory_space<vmem_shared>>)
      } else {
      }
      %dma_wait3A_69 = arith.constant 0 : i32
      %dma_wait3A_70 = arith.constant 0 : i32
      %dma_wait3A_71 = arith.constant 0 : i32
      %dma_wait3A_72 = tpu.memref_slice %arg10[%dma_wait3A_69, %dma_wait3A_70, %dma_wait3A_71] : memref<2x32x128xi32, #tpu.memory_space<vmem_shared>> -> memref<1x32x128xi32, #tpu.memory_space<vmem_shared>>
      %dma_wait3A_73 = tpu.memref_squeeze %dma_wait3A_72 : memref<1x32x128xi32, #tpu.memory_space<vmem_shared>> -> memref<32x128xi32, #tpu.memory_space<vmem_shared>>
      %dma_wait3A_74 = arith.constant 0 : i32
      %dma_wait3A_75 = arith.constant 0 : i32
      %dma_wait3A_76 = tpu.memref_slice %arg10[%dma_wait3A_69, %dma_wait3A_74, %dma_wait3A_75] : memref<2x32x128xi32, #tpu.memory_space<vmem_shared>> -> memref<1x32x128xi32, #tpu.memory_space<vmem_shared>>
      %dma_wait3A_77 = tpu.memref_squeeze %dma_wait3A_76 : memref<1x32x128xi32, #tpu.memory_space<vmem_shared>> -> memref<32x128xi32, #tpu.memory_space<vmem_shared>>
      tpu.wait_dma2 semaphore(%arg14 : memref<!tpu.dma_semaphore, #tpu.memory_space<semaphore_mem>>) src(%dma_wait3A_77 : memref<32x128xi32, #tpu.memory_space<vmem_shared>>) dst(%arg6 : memref<32x128xi32, #tpu.memory_space<vmem>>)
      %barrier3A_78 = arith.constant 0 : index
      tpu.barrier barrier_id(%barrier3A_78)
      %dma_start3A_79 = arith.constant 1 : i32
      %dma_start3A_80 = arith.constant 0 : i32
      %dma_start3A_81 = arith.constant 0 : i32
      %dma_start3A_82 = tpu.memref_slice %arg10[%dma_start3A_79, %dma_start3A_80, %dma_start3A_81] : memref<2x32x128xi32, #tpu.memory_space<vmem_shared>> -> memref<1x32x128xi32, #tpu.memory_space<vmem_shared>>
      %dma_start3A_83 = tpu.memref_squeeze %dma_start3A_82 : memref<1x32x128xi32, #tpu.memory_space<vmem_shared>> -> memref<32x128xi32, #tpu.memory_space<vmem_shared>>
      %dma_start3A_84 = arith.constant 0 : i32
      %dma_start3A_85 = arith.constant 0 : i32
      %dma_start3A_86 = tpu.memref_slice %arg10[%dma_start3A_79, %dma_start3A_84, %dma_start3A_85] : memref<2x32x128xi32, #tpu.memory_space<vmem_shared>> -> memref<1x32x128xi32, #tpu.memory_space<vmem_shared>>
      %dma_start3A_87 = tpu.memref_squeeze %dma_start3A_86 : memref<1x32x128xi32, #tpu.memory_space<vmem_shared>> -> memref<32x128xi32, #tpu.memory_space<vmem_shared>>
      tpu.enqueue_dma source(%dma_start3A_87 : memref<32x128xi32, #tpu.memory_space<vmem_shared>>) target(%arg7 : memref<32x128xi32, #tpu.memory_space<vmem>>) target_semaphore(%arg15 : memref<!tpu.dma_semaphore, #tpu.memory_space<semaphore_mem>>)
      %not3A = arith.constant true
      %not3A_88 = arith.xori %eq3A_65, %not3A : i1
      %and3A = arith.andi %eq3A_1, %not3A_88 : i1
      %convert_element_type3A_89 = arith.extui %and3A : i1 to i32
      %cond3A_90 = arith.constant 0 : i32
      %cond3A_91 = arith.cmpi ne, %convert_element_type3A_89, %cond3A_90 : i32
      scf.if %cond3A_91 {
        %add3A_221 = arith.constant 2 : i32
        %add3A_222 = arith.addi %mul3A_59, %add3A_221 : i32
        %dma_start3A_223 = arith.constant 0 : i32
        %dma_start3A_224 = arith.constant 0 : i32
        %dma_start3A_225 = arith.constant 0 : i32
        %dma_start3A_226 = tpu.memref_slice %arg10[%dma_start3A_223, %dma_start3A_224, %dma_start3A_225] : memref<2x32x128xi32, #tpu.memory_space<vmem_shared>> -> memref<1x32x128xi32, #tpu.memory_space<vmem_shared>>
        %dma_start3A_227 = tpu.memref_squeeze %dma_start3A_226 : memref<1x32x128xi32, #tpu.memory_space<vmem_shared>> -> memref<32x128xi32, #tpu.memory_space<vmem_shared>>
        %dma_start3A_228 = arith.constant 0 : i32
        %dma_start3A_229 = arith.constant 0 : i32
        %dma_start3A_230 = tpu.memref_slice %arg3[%add3A_222, %dma_start3A_228, %dma_start3A_229] : memref<256x32x128xi32, #tpu.memory_space<hbm>> -> memref<1x32x128xi32, #tpu.memory_space<hbm>>
        %dma_start3A_231 = tpu.memref_squeeze %dma_start3A_230 : memref<1x32x128xi32, #tpu.memory_space<hbm>> -> memref<32x128xi32, #tpu.memory_space<hbm>>
        tpu.enqueue_dma source(%dma_start3A_231 : memref<32x128xi32, #tpu.memory_space<hbm>>) target(%dma_start3A_227 : memref<32x128xi32, #tpu.memory_space<vmem_shared>>) target_semaphore(%arg12 : memref<!tpu.dma_semaphore, #tpu.memory_space<semaphore_mem>>)
      } else {
      }
      %gt3A = arith.constant 0 : i32
      %gt3A_92 = arith.cmpi sgt, %scan3A_57, %gt3A : i32
      %convert_element_type3A_93 = arith.extui %gt3A_92 : i1 to i32
      %cond3A_94 = arith.constant 0 : i32
      %cond3A_95 = arith.cmpi ne, %convert_element_type3A_93, %cond3A_94 : i32
      scf.if %cond3A_95 {
        %sub3A_221 = arith.constant 2 : i32
        %sub3A_222 = arith.subi %mul3A_59, %sub3A_221 : i32
        %jit3A_223 = arith.constant 64 : i32
        %div3A_224 = arith.divsi %sub3A_222, %jit3A_223 : i32
        %sign3A_225 = arith.constant 0 : i32
        %sign3A_226 = arith.cmpi sgt, %sub3A_222, %sign3A_225 : i32
        %sign3A_227 = arith.extui %sign3A_226 : i1 to i32
        %sign3A_228 = arith.constant 0 : i32
        %sign3A_229 = arith.cmpi slt, %sub3A_222, %sign3A_228 : i32
        %sign3A_230 = arith.extui %sign3A_229 : i1 to i32
        %sign3A_231 = arith.subi %sign3A_227, %sign3A_230 : i32
        %sign3A_232 = arith.constant 0 : i32
        %sign3A_233 = arith.cmpi sgt, %jit3A_223, %sign3A_232 : i32
        %sign3A_234 = arith.extui %sign3A_233 : i1 to i32
        %sign3A_235 = arith.constant 0 : i32
        %sign3A_236 = arith.cmpi slt, %jit3A_223, %sign3A_235 : i32
        %sign3A_237 = arith.extui %sign3A_236 : i1 to i32
        %sign3A_238 = arith.subi %sign3A_234, %sign3A_237 : i32
        %ne3A_239 = arith.cmpi ne, %sign3A_231, %sign3A_238 : i32
        %rem3A_240 = arith.remsi %sub3A_222, %jit3A_223 : i32
        %ne3A_241 = arith.constant 0 : i32
        %ne3A_242 = arith.cmpi ne, %rem3A_240, %ne3A_241 : i32
        %and3A_243 = arith.andi %ne3A_239, %ne3A_242 : i1
        %sub3A_244 = arith.constant 1 : i32
        %sub3A_245 = arith.subi %div3A_224, %sub3A_244 : i32
        %select_n3A_246 = arith.select %and3A_243, %sub3A_245, %div3A_224 : i32
        %jit3A_247 = arith.constant 64 : i32
        %eq3A_248 = arith.constant 0 : i32
        %eq3A_249 = arith.cmpi eq, %jit3A_247, %eq3A_248 : i32
        %jit3A_250 = arith.constant 1 : i32
        %select_n3A_251 = arith.select %eq3A_249, %jit3A_250, %jit3A_247 : i32
        %rem3A_252 = arith.remsi %sub3A_222, %select_n3A_251 : i32
        %ne3A_253 = arith.constant 0 : i32
        %ne3A_254 = arith.cmpi ne, %rem3A_252, %ne3A_253 : i32
        %lt3A_255 = arith.constant 0 : i32
        %lt3A_256 = arith.cmpi slt, %rem3A_252, %lt3A_255 : i32
        %lt3A_257 = arith.constant 0 : i32
        %lt3A_258 = arith.cmpi slt, %select_n3A_251, %lt3A_257 : i32
        %ne3A_259 = arith.xori %lt3A_256, %lt3A_258 : i1
        %and3A_260 = arith.andi %ne3A_259, %ne3A_254 : i1
        %add3A_261 = arith.addi %rem3A_252, %select_n3A_251 : i32
        %select_n3A_262 = arith.select %and3A_260, %add3A_261, %rem3A_252 : i32
        %dma_wait3A_263 = arith.constant 0 : i32
        %dma_wait3A_264 = arith.constant 0 : i32
        %dma_wait3A_265 = tpu.memref_slice %arg4[%select_n3A_246, %add3A, %select_n3A_262, %dma_wait3A_263, %dma_wait3A_264] : memref<4x32x64x64x64xf32, #tpu.memory_space<hbm>> -> memref<1x1x1x64x64xf32, #tpu.memory_space<hbm>>
        %dma_wait3A_266 = tpu.memref_squeeze %dma_wait3A_265 : memref<1x1x1x64x64xf32, #tpu.memory_space<hbm>> -> memref<64x64xf32, #tpu.memory_space<hbm>>
        %dma_wait3A_267 = arith.constant 0 : i32
        %dma_wait3A_268 = arith.constant 0 : i32
        %dma_wait3A_269 = tpu.memref_slice %arg4[%select_n3A_246, %add3A, %select_n3A_262, %dma_wait3A_267, %dma_wait3A_268] : memref<4x32x64x64x64xf32, #tpu.memory_space<hbm>> -> memref<1x1x1x64x64xf32, #tpu.memory_space<hbm>>
        %dma_wait3A_270 = tpu.memref_squeeze %dma_wait3A_269 : memref<1x1x1x64x64xf32, #tpu.memory_space<hbm>> -> memref<64x64xf32, #tpu.memory_space<hbm>>
        tpu.wait_dma2 semaphore(%arg16 : memref<!tpu.dma_semaphore, #tpu.memory_space<semaphore_mem>>) src(%arg8 : memref<64x64xf32, #tpu.memory_space<vmem>>) dst(%dma_wait3A_270 : memref<64x64xf32, #tpu.memory_space<hbm>>)
      } else {
      }
      %parallel_loop3A = arith.constant 0 : i32
      %parallel_loop3A_96 = arith.constant 256 : i32
      %parallel_loop3A_97 = arith.constant 1 : i32
      scf.for %parallel_loop3A_221 = %parallel_loop3A to %parallel_loop3A_96 step %parallel_loop3A_97  : i32 {
        %parallel_loop3A_222 = arith.constant 8 : i32
        %parallel_loop3A_223 = arith.divsi %parallel_loop3A_221, %parallel_loop3A_222 : i32
        %parallel_loop3A_224 = arith.constant 0 : i32
        %parallel_loop3A_225 = arith.cmpi sgt, %parallel_loop3A_221, %parallel_loop3A_224 : i32
        %parallel_loop3A_226 = arith.extui %parallel_loop3A_225 : i1 to i32
        %parallel_loop3A_227 = arith.constant 0 : i32
        %parallel_loop3A_228 = arith.cmpi slt, %parallel_loop3A_221, %parallel_loop3A_227 : i32
        %parallel_loop3A_229 = arith.extui %parallel_loop3A_228 : i1 to i32
        %parallel_loop3A_230 = arith.subi %parallel_loop3A_226, %parallel_loop3A_229 : i32
        %parallel_loop3A_231 = arith.constant 0 : i32
        %parallel_loop3A_232 = arith.cmpi sgt, %parallel_loop3A_222, %parallel_loop3A_231 : i32
        %parallel_loop3A_233 = arith.extui %parallel_loop3A_232 : i1 to i32
        %parallel_loop3A_234 = arith.constant 0 : i32
        %parallel_loop3A_235 = arith.cmpi slt, %parallel_loop3A_222, %parallel_loop3A_234 : i32
        %parallel_loop3A_236 = arith.extui %parallel_loop3A_235 : i1 to i32
        %parallel_loop3A_237 = arith.subi %parallel_loop3A_233, %parallel_loop3A_236 : i32
        %parallel_loop3A_238 = arith.cmpi ne, %parallel_loop3A_230, %parallel_loop3A_237 : i32
        %parallel_loop3A_239 = arith.remsi %parallel_loop3A_221, %parallel_loop3A_222 : i32
        %parallel_loop3A_240 = arith.constant 0 : i32
        %parallel_loop3A_241 = arith.cmpi ne, %parallel_loop3A_239, %parallel_loop3A_240 : i32
        %parallel_loop3A_242 = arith.andi %parallel_loop3A_238, %parallel_loop3A_241 : i1
        %parallel_loop3A_243 = arith.constant 1 : i32
        %parallel_loop3A_244 = arith.subi %parallel_loop3A_223, %parallel_loop3A_243 : i32
        %parallel_loop3A_245 = arith.select %parallel_loop3A_242, %parallel_loop3A_244, %parallel_loop3A_223 : i32
        %parallel_loop3A_246 = arith.constant 8 : i32
        %parallel_loop3A_247 = arith.constant 0 : i32
        %parallel_loop3A_248 = arith.cmpi eq, %parallel_loop3A_246, %parallel_loop3A_247 : i32
        %parallel_loop3A_249 = arith.constant 1 : i32
        %parallel_loop3A_250 = arith.select %parallel_loop3A_248, %parallel_loop3A_249, %parallel_loop3A_246 : i32
        %parallel_loop3A_251 = arith.remsi %parallel_loop3A_221, %parallel_loop3A_250 : i32
        %parallel_loop3A_252 = arith.constant 0 : i32
        %parallel_loop3A_253 = arith.cmpi ne, %parallel_loop3A_251, %parallel_loop3A_252 : i32
        %parallel_loop3A_254 = arith.constant 0 : i32
        %parallel_loop3A_255 = arith.cmpi slt, %parallel_loop3A_251, %parallel_loop3A_254 : i32
        %parallel_loop3A_256 = arith.constant 0 : i32
        %parallel_loop3A_257 = arith.cmpi slt, %parallel_loop3A_250, %parallel_loop3A_256 : i32
        %parallel_loop3A_258 = arith.xori %parallel_loop3A_255, %parallel_loop3A_257 : i1
        %parallel_loop3A_259 = arith.andi %parallel_loop3A_258, %parallel_loop3A_253 : i1
        %parallel_loop3A_260 = arith.addi %parallel_loop3A_251, %parallel_loop3A_250 : i32
        %parallel_loop3A_261 = arith.select %parallel_loop3A_259, %parallel_loop3A_260, %parallel_loop3A_251 : i32
        %parallel_loop3A_262 = arith.constant 16 : i32
        %parallel_loop3A_263 = arith.muli %parallel_loop3A_261, %parallel_loop3A_262 : i32
        %parallel_loop3A_264 = arith.index_cast %parallel_loop3A_245 : i32 to index
        %parallel_loop3A_265 = arith.index_cast %parallel_loop3A_263 : i32 to index
        %parallel_loop3A_266 = tpu.vector_load %arg6[%parallel_loop3A_264, %parallel_loop3A_265] {strides = array<i32>} : memref<32x128xi32, #tpu.memory_space<vmem>>, vector<16xi32>,
        %parallel_loop3A_267 = arith.constant 4 : i32
        %parallel_loop3A_268 = arith.divsi %parallel_loop3A_221, %parallel_loop3A_267 : i32
        %parallel_loop3A_269 = arith.constant 0 : i32
        %parallel_loop3A_270 = arith.cmpi sgt, %parallel_loop3A_221, %parallel_loop3A_269 : i32
        %parallel_loop3A_271 = arith.extui %parallel_loop3A_270 : i1 to i32
        %parallel_loop3A_272 = arith.constant 0 : i32
        %parallel_loop3A_273 = arith.cmpi slt, %parallel_loop3A_221, %parallel_loop3A_272 : i32
        %parallel_loop3A_274 = arith.extui %parallel_loop3A_273 : i1 to i32
        %parallel_loop3A_275 = arith.subi %parallel_loop3A_271, %parallel_loop3A_274 : i32
        %parallel_loop3A_276 = arith.constant 0 : i32
        %parallel_loop3A_277 = arith.cmpi sgt, %parallel_loop3A_267, %parallel_loop3A_276 : i32
        %parallel_loop3A_278 = arith.extui %parallel_loop3A_277 : i1 to i32
        %parallel_loop3A_279 = arith.constant 0 : i32
        %parallel_loop3A_280 = arith.cmpi slt, %parallel_loop3A_267, %parallel_loop3A_279 : i32
        %parallel_loop3A_281 = arith.extui %parallel_loop3A_280 : i1 to i32
        %parallel_loop3A_282 = arith.subi %parallel_loop3A_278, %parallel_loop3A_281 : i32
        %parallel_loop3A_283 = arith.cmpi ne, %parallel_loop3A_275, %parallel_loop3A_282 : i32
        %parallel_loop3A_284 = arith.remsi %parallel_loop3A_221, %parallel_loop3A_267 : i32
        %parallel_loop3A_285 = arith.constant 0 : i32
        %parallel_loop3A_286 = arith.cmpi ne, %parallel_loop3A_284, %parallel_loop3A_285 : i32
        %parallel_loop3A_287 = arith.andi %parallel_loop3A_283, %parallel_loop3A_286 : i1
        %parallel_loop3A_288 = arith.constant 1 : i32
        %parallel_loop3A_289 = arith.subi %parallel_loop3A_268, %parallel_loop3A_288 : i32
        %parallel_loop3A_290 = arith.select %parallel_loop3A_287, %parallel_loop3A_289, %parallel_loop3A_268 : i32
        %parallel_loop3A_291 = arith.constant 4 : i32
        %parallel_loop3A_292 = arith.constant 0 : i32
        %parallel_loop3A_293 = arith.cmpi eq, %parallel_loop3A_291, %parallel_loop3A_292 : i32
        %parallel_loop3A_294 = arith.constant 1 : i32
        %parallel_loop3A_295 = arith.select %parallel_loop3A_293, %parallel_loop3A_294, %parallel_loop3A_291 : i32
        %parallel_loop3A_296 = arith.remsi %parallel_loop3A_221, %parallel_loop3A_295 : i32
        %parallel_loop3A_297 = arith.constant 0 : i32
        %parallel_loop3A_298 = arith.cmpi ne, %parallel_loop3A_296, %parallel_loop3A_297 : i32
        %parallel_loop3A_299 = arith.constant 0 : i32
        %parallel_loop3A_300 = arith.cmpi slt, %parallel_loop3A_296, %parallel_loop3A_299 : i32
        %parallel_loop3A_301 = arith.constant 0 : i32
        %parallel_loop3A_302 = arith.cmpi slt, %parallel_loop3A_295, %parallel_loop3A_301 : i32
        %parallel_loop3A_303 = arith.xori %parallel_loop3A_300, %parallel_loop3A_302 : i1
        %parallel_loop3A_304 = arith.andi %parallel_loop3A_303, %parallel_loop3A_298 : i1
        %parallel_loop3A_305 = arith.addi %parallel_loop3A_296, %parallel_loop3A_295 : i32
        %parallel_loop3A_306 = arith.select %parallel_loop3A_304, %parallel_loop3A_305, %parallel_loop3A_296 : i32
        %parallel_loop3A_307 = arith.constant 16 : i32
        %parallel_loop3A_308 = arith.muli %parallel_loop3A_306, %parallel_loop3A_307 : i32
        %parallel_loop3A_309 = arith.constant 7 : i32
        %parallel_loop3A_310 = vector.broadcast %parallel_loop3A_309 : i32 to vector<16xi32>
        %parallel_loop3A_311 = arith.shrsi %parallel_loop3A_266, %parallel_loop3A_310 : vector<16xi32>
        %parallel_loop3A_312 = arith.constant 127 : i32
        %parallel_loop3A_313 = vector.broadcast %parallel_loop3A_312 : i32 to vector<16xi32>
        %parallel_loop3A_314 = arith.andi %parallel_loop3A_266, %parallel_loop3A_313 : vector<16xi32>
        %parallel_loop3A_315 = tpu.vector_load_idx %arg5[%parallel_loop3A_311, %parallel_loop3A_314] : memref<800x128xf32, #tpu.memory_space<vmem>>[vector<16xi32>, vector<16xi32>], vector<16xf32>,
        %parallel_loop3A_316 = arith.index_cast %parallel_loop3A_290 : i32 to index
        %parallel_loop3A_317 = arith.index_cast %parallel_loop3A_308 : i32 to index
        %parallel_loop3A_318 = tpu.vector_load %arg8[%parallel_loop3A_316, %parallel_loop3A_317] {strides = array<i32>} : memref<64x64xf32, #tpu.memory_space<vmem>>, vector<16xf32>,
        tpu.vector_store %arg8[%parallel_loop3A_316, %parallel_loop3A_317], %parallel_loop3A_315 {strides = array<i32>} : memref<64x64xf32, #tpu.memory_space<vmem>>, vector<16xf32>,
      } {sc.loop_unroll_factor = 16 : i64, sc.parallel_access}
      %jit3A = arith.constant 64 : i32
      %div3A = arith.divsi %mul3A_59, %jit3A : i32
      %sign3A = arith.constant 0 : i32
      %sign3A_98 = arith.cmpi sgt, %mul3A_59, %sign3A : i32
      %sign3A_99 = arith.extui %sign3A_98 : i1 to i32
      %sign3A_100 = arith.constant 0 : i32
      %sign3A_101 = arith.cmpi slt, %mul3A_59, %sign3A_100 : i32
      %sign3A_102 = arith.extui %sign3A_101 : i1 to i32
      %sign3A_103 = arith.subi %sign3A_99, %sign3A_102 : i32
      %sign3A_104 = arith.constant 0 : i32
      %sign3A_105 = arith.cmpi sgt, %jit3A, %sign3A_104 : i32
      %sign3A_106 = arith.extui %sign3A_105 : i1 to i32
      %sign3A_107 = arith.constant 0 : i32
      %sign3A_108 = arith.cmpi slt, %jit3A, %sign3A_107 : i32
      %sign3A_109 = arith.extui %sign3A_108 : i1 to i32
      %sign3A_110 = arith.subi %sign3A_106, %sign3A_109 : i32
      %ne3A = arith.cmpi ne, %sign3A_103, %sign3A_110 : i32
      %rem3A = arith.remsi %mul3A_59, %jit3A : i32
      %ne3A_111 = arith.constant 0 : i32
      %ne3A_112 = arith.cmpi ne, %rem3A, %ne3A_111 : i32
      %and3A_113 = arith.andi %ne3A, %ne3A_112 : i1
      %sub3A = arith.constant 1 : i32
      %sub3A_114 = arith.subi %div3A, %sub3A : i32
      %select_n3A = arith.select %and3A_113, %sub3A_114, %div3A : i32
      %jit3A_115 = arith.constant 64 : i32
      %eq3A_116 = arith.constant 0 : i32
      %eq3A_117 = arith.cmpi eq, %jit3A_115, %eq3A_116 : i32
      %jit3A_118 = arith.constant 1 : i32
      %select_n3A_119 = arith.select %eq3A_117, %jit3A_118, %jit3A_115 : i32
      %rem3A_120 = arith.remsi %mul3A_59, %select_n3A_119 : i32
      %ne3A_121 = arith.constant 0 : i32
      %ne3A_122 = arith.cmpi ne, %rem3A_120, %ne3A_121 : i32
      %lt3A = arith.constant 0 : i32
      %lt3A_123 = arith.cmpi slt, %rem3A_120, %lt3A : i32
      %lt3A_124 = arith.constant 0 : i32
      %lt3A_125 = arith.cmpi slt, %select_n3A_119, %lt3A_124 : i32
      %ne3A_126 = arith.xori %lt3A_123, %lt3A_125 : i1
      %and3A_127 = arith.andi %ne3A_126, %ne3A_122 : i1
      %add3A_128 = arith.addi %rem3A_120, %select_n3A_119 : i32
      %select_n3A_129 = arith.select %and3A_127, %add3A_128, %rem3A_120 : i32
      %dma_start3A_130 = arith.constant 0 : i32
      %dma_start3A_131 = arith.constant 0 : i32
      %dma_start3A_132 = tpu.memref_slice %arg4[%select_n3A, %add3A, %select_n3A_129, %dma_start3A_130, %dma_start3A_131] : memref<4x32x64x64x64xf32, #tpu.memory_space<hbm>> -> memref<1x1x1x64x64xf32, #tpu.memory_space<hbm>>
      %dma_start3A_133 = tpu.memref_squeeze %dma_start3A_132 : memref<1x1x1x64x64xf32, #tpu.memory_space<hbm>> -> memref<64x64xf32, #tpu.memory_space<hbm>>
      %dma_start3A_134 = arith.constant 0 : i32
      %dma_start3A_135 = arith.constant 0 : i32
      %dma_start3A_136 = tpu.memref_slice %arg4[%select_n3A, %add3A, %select_n3A_129, %dma_start3A_134, %dma_start3A_135] : memref<4x32x64x64x64xf32, #tpu.memory_space<hbm>> -> memref<1x1x1x64x64xf32, #tpu.memory_space<hbm>>
      %dma_start3A_137 = tpu.memref_squeeze %dma_start3A_136 : memref<1x1x1x64x64xf32, #tpu.memory_space<hbm>> -> memref<64x64xf32, #tpu.memory_space<hbm>>
      tpu.enqueue_dma source(%arg8 : memref<64x64xf32, #tpu.memory_space<vmem>>) target(%dma_start3A_137 : memref<64x64xf32, #tpu.memory_space<hbm>>) target_semaphore(%arg16 : memref<!tpu.dma_semaphore, #tpu.memory_space<semaphore_mem>>)
      %not3A_138 = arith.constant true
      %not3A_139 = arith.xori %eq3A_65, %not3A_138 : i1
      %and3A_140 = arith.andi %eq3A_1, %not3A_139 : i1
      %convert_element_type3A_141 = arith.extui %and3A_140 : i1 to i32
      %cond3A_142 = arith.constant 0 : i32
      %cond3A_143 = arith.cmpi ne, %convert_element_type3A_141, %cond3A_142 : i32
      scf.if %cond3A_143 {
        %add3A_221 = arith.constant 2 : i32
        %add3A_222 = arith.addi %mul3A_59, %add3A_221 : i32
        %dma_wait3A_223 = arith.constant 0 : i32
        %dma_wait3A_224 = arith.constant 0 : i32
        %dma_wait3A_225 = arith.constant 0 : i32
        %dma_wait3A_226 = tpu.memref_slice %arg10[%dma_wait3A_223, %dma_wait3A_224, %dma_wait3A_225] : memref<2x32x128xi32, #tpu.memory_space<vmem_shared>> -> memref<1x32x128xi32, #tpu.memory_space<vmem_shared>>
        %dma_wait3A_227 = tpu.memref_squeeze %dma_wait3A_226 : memref<1x32x128xi32, #tpu.memory_space<vmem_shared>> -> memref<32x128xi32, #tpu.memory_space<vmem_shared>>
        %dma_wait3A_228 = arith.constant 0 : i32
        %dma_wait3A_229 = arith.constant 0 : i32
        %dma_wait3A_230 = tpu.memref_slice %arg3[%add3A_222, %dma_wait3A_228, %dma_wait3A_229] : memref<256x32x128xi32, #tpu.memory_space<hbm>> -> memref<1x32x128xi32, #tpu.memory_space<hbm>>
        %dma_wait3A_231 = tpu.memref_squeeze %dma_wait3A_230 : memref<1x32x128xi32, #tpu.memory_space<hbm>> -> memref<32x128xi32, #tpu.memory_space<hbm>>
        tpu.wait_dma2 semaphore(%arg12 : memref<!tpu.dma_semaphore, #tpu.memory_space<semaphore_mem>>) src(%dma_wait3A_231 : memref<32x128xi32, #tpu.memory_space<hbm>>) dst(%dma_wait3A_227 : memref<32x128xi32, #tpu.memory_space<vmem_shared>>)
      } else {
      }
      %dma_wait3A_144 = arith.constant 1 : i32
      %dma_wait3A_145 = arith.constant 0 : i32
      %dma_wait3A_146 = arith.constant 0 : i32
      %dma_wait3A_147 = tpu.memref_slice %arg10[%dma_wait3A_144, %dma_wait3A_145, %dma_wait3A_146] : memref<2x32x128xi32, #tpu.memory_space<vmem_shared>> -> memref<1x32x128xi32, #tpu.memory_space<vmem_shared>>
      %dma_wait3A_148 = tpu.memref_squeeze %dma_wait3A_147 : memref<1x32x128xi32, #tpu.memory_space<vmem_shared>> -> memref<32x128xi32, #tpu.memory_space<vmem_shared>>
      %dma_wait3A_149 = arith.constant 0 : i32
      %dma_wait3A_150 = arith.constant 0 : i32
      %dma_wait3A_151 = tpu.memref_slice %arg10[%dma_wait3A_144, %dma_wait3A_149, %dma_wait3A_150] : memref<2x32x128xi32, #tpu.memory_space<vmem_shared>> -> memref<1x32x128xi32, #tpu.memory_space<vmem_shared>>
      %dma_wait3A_152 = tpu.memref_squeeze %dma_wait3A_151 : memref<1x32x128xi32, #tpu.memory_space<vmem_shared>> -> memref<32x128xi32, #tpu.memory_space<vmem_shared>>
      tpu.wait_dma2 semaphore(%arg15 : memref<!tpu.dma_semaphore, #tpu.memory_space<semaphore_mem>>) src(%dma_wait3A_152 : memref<32x128xi32, #tpu.memory_space<vmem_shared>>) dst(%arg7 : memref<32x128xi32, #tpu.memory_space<vmem>>)
      %barrier3A_153 = arith.constant 0 : index
      tpu.barrier barrier_id(%barrier3A_153)
      %not3A_154 = arith.constant true
      %not3A_155 = arith.xori %eq3A_65, %not3A_154 : i1
      %convert_element_type3A_156 = arith.extui %not3A_155 : i1 to i32
      %cond3A_157 = arith.constant 0 : i32
      %cond3A_158 = arith.cmpi ne, %convert_element_type3A_156, %cond3A_157 : i32
      scf.if %cond3A_158 {
        %dma_start3A_221 = arith.constant 0 : i32
        %dma_start3A_222 = arith.constant 0 : i32
        %dma_start3A_223 = arith.constant 0 : i32
        %dma_start3A_224 = tpu.memref_slice %arg10[%dma_start3A_221, %dma_start3A_222, %dma_start3A_223] : memref<2x32x128xi32, #tpu.memory_space<vmem_shared>> -> memref<1x32x128xi32, #tpu.memory_space<vmem_shared>>
        %dma_start3A_225 = tpu.memref_squeeze %dma_start3A_224 : memref<1x32x128xi32, #tpu.memory_space<vmem_shared>> -> memref<32x128xi32, #tpu.memory_space<vmem_shared>>
        %dma_start3A_226 = arith.constant 0 : i32
        %dma_start3A_227 = arith.constant 0 : i32
        %dma_start3A_228 = tpu.memref_slice %arg10[%dma_start3A_221, %dma_start3A_226, %dma_start3A_227] : memref<2x32x128xi32, #tpu.memory_space<vmem_shared>> -> memref<1x32x128xi32, #tpu.memory_space<vmem_shared>>
        %dma_start3A_229 = tpu.memref_squeeze %dma_start3A_228 : memref<1x32x128xi32, #tpu.memory_space<vmem_shared>> -> memref<32x128xi32, #tpu.memory_space<vmem_shared>>
        tpu.enqueue_dma source(%dma_start3A_229 : memref<32x128xi32, #tpu.memory_space<vmem_shared>>) target(%arg6 : memref<32x128xi32, #tpu.memory_space<vmem>>) target_semaphore(%arg14 : memref<!tpu.dma_semaphore, #tpu.memory_space<semaphore_mem>>)
      } else {
      }
      %not3A_159 = arith.constant true
      %not3A_160 = arith.xori %eq3A_65, %not3A_159 : i1
      %and3A_161 = arith.andi %eq3A_1, %not3A_160 : i1
      %convert_element_type3A_162 = arith.extui %and3A_161 : i1 to i32
      %cond3A_163 = arith.constant 0 : i32
      %cond3A_164 = arith.cmpi ne, %convert_element_type3A_162, %cond3A_163 : i32
      scf.if %cond3A_164 {
        %add3A_221 = arith.constant 2 : i32
        %add3A_222 = arith.addi %add3A_61, %add3A_221 : i32
        %dma_start3A_223 = arith.constant 1 : i32
        %dma_start3A_224 = arith.constant 0 : i32
        %dma_start3A_225 = arith.constant 0 : i32
        %dma_start3A_226 = tpu.memref_slice %arg10[%dma_start3A_223, %dma_start3A_224, %dma_start3A_225] : memref<2x32x128xi32, #tpu.memory_space<vmem_shared>> -> memref<1x32x128xi32, #tpu.memory_space<vmem_shared>>
        %dma_start3A_227 = tpu.memref_squeeze %dma_start3A_226 : memref<1x32x128xi32, #tpu.memory_space<vmem_shared>> -> memref<32x128xi32, #tpu.memory_space<vmem_shared>>
        %dma_start3A_228 = arith.constant 0 : i32
        %dma_start3A_229 = arith.constant 0 : i32
        %dma_start3A_230 = tpu.memref_slice %arg3[%add3A_222, %dma_start3A_228, %dma_start3A_229] : memref<256x32x128xi32, #tpu.memory_space<hbm>> -> memref<1x32x128xi32, #tpu.memory_space<hbm>>
        %dma_start3A_231 = tpu.memref_squeeze %dma_start3A_230 : memref<1x32x128xi32, #tpu.memory_space<hbm>> -> memref<32x128xi32, #tpu.memory_space<hbm>>
        tpu.enqueue_dma source(%dma_start3A_231 : memref<32x128xi32, #tpu.memory_space<hbm>>) target(%dma_start3A_227 : memref<32x128xi32, #tpu.memory_space<vmem_shared>>) target_semaphore(%arg13 : memref<!tpu.dma_semaphore, #tpu.memory_space<semaphore_mem>>)
      } else {
      }
      %gt3A_165 = arith.constant 0 : i32
      %gt3A_166 = arith.cmpi sgt, %scan3A_57, %gt3A_165 : i32
      %convert_element_type3A_167 = arith.extui %gt3A_166 : i1 to i32
      %cond3A_168 = arith.constant 0 : i32
      %cond3A_169 = arith.cmpi ne, %convert_element_type3A_167, %cond3A_168 : i32
      scf.if %cond3A_169 {
        %sub3A_221 = arith.constant 2 : i32
        %sub3A_222 = arith.subi %add3A_61, %sub3A_221 : i32
        %jit3A_223 = arith.constant 64 : i32
        %div3A_224 = arith.divsi %sub3A_222, %jit3A_223 : i32
        %sign3A_225 = arith.constant 0 : i32
        %sign3A_226 = arith.cmpi sgt, %sub3A_222, %sign3A_225 : i32
        %sign3A_227 = arith.extui %sign3A_226 : i1 to i32
        %sign3A_228 = arith.constant 0 : i32
        %sign3A_229 = arith.cmpi slt, %sub3A_222, %sign3A_228 : i32
        %sign3A_230 = arith.extui %sign3A_229 : i1 to i32
        %sign3A_231 = arith.subi %sign3A_227, %sign3A_230 : i32
        %sign3A_232 = arith.constant 0 : i32
        %sign3A_233 = arith.cmpi sgt, %jit3A_223, %sign3A_232 : i32
        %sign3A_234 = arith.extui %sign3A_233 : i1 to i32
        %sign3A_235 = arith.constant 0 : i32
        %sign3A_236 = arith.cmpi slt, %jit3A_223, %sign3A_235 : i32
        %sign3A_237 = arith.extui %sign3A_236 : i1 to i32
        %sign3A_238 = arith.subi %sign3A_234, %sign3A_237 : i32
        %ne3A_239 = arith.cmpi ne, %sign3A_231, %sign3A_238 : i32
        %rem3A_240 = arith.remsi %sub3A_222, %jit3A_223 : i32
        %ne3A_241 = arith.constant 0 : i32
        %ne3A_242 = arith.cmpi ne, %rem3A_240, %ne3A_241 : i32
        %and3A_243 = arith.andi %ne3A_239, %ne3A_242 : i1
        %sub3A_244 = arith.constant 1 : i32
        %sub3A_245 = arith.subi %div3A_224, %sub3A_244 : i32
        %select_n3A_246 = arith.select %and3A_243, %sub3A_245, %div3A_224 : i32
        %jit3A_247 = arith.constant 64 : i32
        %eq3A_248 = arith.constant 0 : i32
        %eq3A_249 = arith.cmpi eq, %jit3A_247, %eq3A_248 : i32
        %jit3A_250 = arith.constant 1 : i32
        %select_n3A_251 = arith.select %eq3A_249, %jit3A_250, %jit3A_247 : i32
        %rem3A_252 = arith.remsi %sub3A_222, %select_n3A_251 : i32
        %ne3A_253 = arith.constant 0 : i32
        %ne3A_254 = arith.cmpi ne, %rem3A_252, %ne3A_253 : i32
        %lt3A_255 = arith.constant 0 : i32
        %lt3A_256 = arith.cmpi slt, %rem3A_252, %lt3A_255 : i32
        %lt3A_257 = arith.constant 0 : i32
        %lt3A_258 = arith.cmpi slt, %select_n3A_251, %lt3A_257 : i32
        %ne3A_259 = arith.xori %lt3A_256, %lt3A_258 : i1
        %and3A_260 = arith.andi %ne3A_259, %ne3A_254 : i1
        %add3A_261 = arith.addi %rem3A_252, %select_n3A_251 : i32
        %select_n3A_262 = arith.select %and3A_260, %add3A_261, %rem3A_252 : i32
        %dma_wait3A_263 = arith.constant 0 : i32
        %dma_wait3A_264 = arith.constant 0 : i32
        %dma_wait3A_265 = tpu.memref_slice %arg4[%select_n3A_246, %add3A, %select_n3A_262, %dma_wait3A_263, %dma_wait3A_264] : memref<4x32x64x64x64xf32, #tpu.memory_space<hbm>> -> memref<1x1x1x64x64xf32, #tpu.memory_space<hbm>>
        %dma_wait3A_266 = tpu.memref_squeeze %dma_wait3A_265 : memref<1x1x1x64x64xf32, #tpu.memory_space<hbm>> -> memref<64x64xf32, #tpu.memory_space<hbm>>
        %dma_wait3A_267 = arith.constant 0 : i32
        %dma_wait3A_268 = arith.constant 0 : i32
        %dma_wait3A_269 = tpu.memref_slice %arg4[%select_n3A_246, %add3A, %select_n3A_262, %dma_wait3A_267, %dma_wait3A_268] : memref<4x32x64x64x64xf32, #tpu.memory_space<hbm>> -> memref<1x1x1x64x64xf32, #tpu.memory_space<hbm>>
        %dma_wait3A_270 = tpu.memref_squeeze %dma_wait3A_269 : memref<1x1x1x64x64xf32, #tpu.memory_space<hbm>> -> memref<64x64xf32, #tpu.memory_space<hbm>>
        tpu.wait_dma2 semaphore(%arg17 : memref<!tpu.dma_semaphore, #tpu.memory_space<semaphore_mem>>) src(%arg9 : memref<64x64xf32, #tpu.memory_space<vmem>>) dst(%dma_wait3A_270 : memref<64x64xf32, #tpu.memory_space<hbm>>)
      } else {
      }
      %parallel_loop3A_170 = arith.constant 0 : i32
      %parallel_loop3A_171 = arith.constant 256 : i32
      %parallel_loop3A_172 = arith.constant 1 : i32
      scf.for %parallel_loop3A_221 = %parallel_loop3A_170 to %parallel_loop3A_171 step %parallel_loop3A_172  : i32 {
        %parallel_loop3A_222 = arith.constant 8 : i32
        %parallel_loop3A_223 = arith.divsi %parallel_loop3A_221, %parallel_loop3A_222 : i32
        %parallel_loop3A_224 = arith.constant 0 : i32
        %parallel_loop3A_225 = arith.cmpi sgt, %parallel_loop3A_221, %parallel_loop3A_224 : i32
        %parallel_loop3A_226 = arith.extui %parallel_loop3A_225 : i1 to i32
        %parallel_loop3A_227 = arith.constant 0 : i32
        %parallel_loop3A_228 = arith.cmpi slt, %parallel_loop3A_221, %parallel_loop3A_227 : i32
        %parallel_loop3A_229 = arith.extui %parallel_loop3A_228 : i1 to i32
        %parallel_loop3A_230 = arith.subi %parallel_loop3A_226, %parallel_loop3A_229 : i32
        %parallel_loop3A_231 = arith.constant 0 : i32
        %parallel_loop3A_232 = arith.cmpi sgt, %parallel_loop3A_222, %parallel_loop3A_231 : i32
        %parallel_loop3A_233 = arith.extui %parallel_loop3A_232 : i1 to i32
        %parallel_loop3A_234 = arith.constant 0 : i32
        %parallel_loop3A_235 = arith.cmpi slt, %parallel_loop3A_222, %parallel_loop3A_234 : i32
        %parallel_loop3A_236 = arith.extui %parallel_loop3A_235 : i1 to i32
        %parallel_loop3A_237 = arith.subi %parallel_loop3A_233, %parallel_loop3A_236 : i32
        %parallel_loop3A_238 = arith.cmpi ne, %parallel_loop3A_230, %parallel_loop3A_237 : i32
        %parallel_loop3A_239 = arith.remsi %parallel_loop3A_221, %parallel_loop3A_222 : i32
        %parallel_loop3A_240 = arith.constant 0 : i32
        %parallel_loop3A_241 = arith.cmpi ne, %parallel_loop3A_239, %parallel_loop3A_240 : i32
        %parallel_loop3A_242 = arith.andi %parallel_loop3A_238, %parallel_loop3A_241 : i1
        %parallel_loop3A_243 = arith.constant 1 : i32
        %parallel_loop3A_244 = arith.subi %parallel_loop3A_223, %parallel_loop3A_243 : i32
        %parallel_loop3A_245 = arith.select %parallel_loop3A_242, %parallel_loop3A_244, %parallel_loop3A_223 : i32
        %parallel_loop3A_246 = arith.constant 8 : i32
        %parallel_loop3A_247 = arith.constant 0 : i32
        %parallel_loop3A_248 = arith.cmpi eq, %parallel_loop3A_246, %parallel_loop3A_247 : i32
        %parallel_loop3A_249 = arith.constant 1 : i32
        %parallel_loop3A_250 = arith.select %parallel_loop3A_248, %parallel_loop3A_249, %parallel_loop3A_246 : i32
        %parallel_loop3A_251 = arith.remsi %parallel_loop3A_221, %parallel_loop3A_250 : i32
        %parallel_loop3A_252 = arith.constant 0 : i32
        %parallel_loop3A_253 = arith.cmpi ne, %parallel_loop3A_251, %parallel_loop3A_252 : i32
        %parallel_loop3A_254 = arith.constant 0 : i32
        %parallel_loop3A_255 = arith.cmpi slt, %parallel_loop3A_251, %parallel_loop3A_254 : i32
        %parallel_loop3A_256 = arith.constant 0 : i32
        %parallel_loop3A_257 = arith.cmpi slt, %parallel_loop3A_250, %parallel_loop3A_256 : i32
        %parallel_loop3A_258 = arith.xori %parallel_loop3A_255, %parallel_loop3A_257 : i1
        %parallel_loop3A_259 = arith.andi %parallel_loop3A_258, %parallel_loop3A_253 : i1
        %parallel_loop3A_260 = arith.addi %parallel_loop3A_251, %parallel_loop3A_250 : i32
        %parallel_loop3A_261 = arith.select %parallel_loop3A_259, %parallel_loop3A_260, %parallel_loop3A_251 : i32
        %parallel_loop3A_262 = arith.constant 16 : i32
        %parallel_loop3A_263 = arith.muli %parallel_loop3A_261, %parallel_loop3A_262 : i32
        %parallel_loop3A_264 = arith.index_cast %parallel_loop3A_245 : i32 to index
        %parallel_loop3A_265 = arith.index_cast %parallel_loop3A_263 : i32 to index
        %parallel_loop3A_266 = tpu.vector_load %arg7[%parallel_loop3A_264, %parallel_loop3A_265] {strides = array<i32>} : memref<32x128xi32, #tpu.memory_space<vmem>>, vector<16xi32>,
        %parallel_loop3A_267 = arith.constant 4 : i32
        %parallel_loop3A_268 = arith.divsi %parallel_loop3A_221, %parallel_loop3A_267 : i32
        %parallel_loop3A_269 = arith.constant 0 : i32
        %parallel_loop3A_270 = arith.cmpi sgt, %parallel_loop3A_221, %parallel_loop3A_269 : i32
        %parallel_loop3A_271 = arith.extui %parallel_loop3A_270 : i1 to i32
        %parallel_loop3A_272 = arith.constant 0 : i32
        %parallel_loop3A_273 = arith.cmpi slt, %parallel_loop3A_221, %parallel_loop3A_272 : i32
        %parallel_loop3A_274 = arith.extui %parallel_loop3A_273 : i1 to i32
        %parallel_loop3A_275 = arith.subi %parallel_loop3A_271, %parallel_loop3A_274 : i32
        %parallel_loop3A_276 = arith.constant 0 : i32
        %parallel_loop3A_277 = arith.cmpi sgt, %parallel_loop3A_267, %parallel_loop3A_276 : i32
        %parallel_loop3A_278 = arith.extui %parallel_loop3A_277 : i1 to i32
        %parallel_loop3A_279 = arith.constant 0 : i32
        %parallel_loop3A_280 = arith.cmpi slt, %parallel_loop3A_267, %parallel_loop3A_279 : i32
        %parallel_loop3A_281 = arith.extui %parallel_loop3A_280 : i1 to i32
        %parallel_loop3A_282 = arith.subi %parallel_loop3A_278, %parallel_loop3A_281 : i32
        %parallel_loop3A_283 = arith.cmpi ne, %parallel_loop3A_275, %parallel_loop3A_282 : i32
        %parallel_loop3A_284 = arith.remsi %parallel_loop3A_221, %parallel_loop3A_267 : i32
        %parallel_loop3A_285 = arith.constant 0 : i32
        %parallel_loop3A_286 = arith.cmpi ne, %parallel_loop3A_284, %parallel_loop3A_285 : i32
        %parallel_loop3A_287 = arith.andi %parallel_loop3A_283, %parallel_loop3A_286 : i1
        %parallel_loop3A_288 = arith.constant 1 : i32
        %parallel_loop3A_289 = arith.subi %parallel_loop3A_268, %parallel_loop3A_288 : i32
        %parallel_loop3A_290 = arith.select %parallel_loop3A_287, %parallel_loop3A_289, %parallel_loop3A_268 : i32
        %parallel_loop3A_291 = arith.constant 4 : i32
        %parallel_loop3A_292 = arith.constant 0 : i32
        %parallel_loop3A_293 = arith.cmpi eq, %parallel_loop3A_291, %parallel_loop3A_292 : i32
        %parallel_loop3A_294 = arith.constant 1 : i32
        %parallel_loop3A_295 = arith.select %parallel_loop3A_293, %parallel_loop3A_294, %parallel_loop3A_291 : i32
        %parallel_loop3A_296 = arith.remsi %parallel_loop3A_221, %parallel_loop3A_295 : i32
        %parallel_loop3A_297 = arith.constant 0 : i32
        %parallel_loop3A_298 = arith.cmpi ne, %parallel_loop3A_296, %parallel_loop3A_297 : i32
        %parallel_loop3A_299 = arith.constant 0 : i32
        %parallel_loop3A_300 = arith.cmpi slt, %parallel_loop3A_296, %parallel_loop3A_299 : i32
        %parallel_loop3A_301 = arith.constant 0 : i32
        %parallel_loop3A_302 = arith.cmpi slt, %parallel_loop3A_295, %parallel_loop3A_301 : i32
        %parallel_loop3A_303 = arith.xori %parallel_loop3A_300, %parallel_loop3A_302 : i1
        %parallel_loop3A_304 = arith.andi %parallel_loop3A_303, %parallel_loop3A_298 : i1
        %parallel_loop3A_305 = arith.addi %parallel_loop3A_296, %parallel_loop3A_295 : i32
        %parallel_loop3A_306 = arith.select %parallel_loop3A_304, %parallel_loop3A_305, %parallel_loop3A_296 : i32
        %parallel_loop3A_307 = arith.constant 16 : i32
        %parallel_loop3A_308 = arith.muli %parallel_loop3A_306, %parallel_loop3A_307 : i32
        %parallel_loop3A_309 = arith.constant 7 : i32
        %parallel_loop3A_310 = vector.broadcast %parallel_loop3A_309 : i32 to vector<16xi32>
        %parallel_loop3A_311 = arith.shrsi %parallel_loop3A_266, %parallel_loop3A_310 : vector<16xi32>
        %parallel_loop3A_312 = arith.constant 127 : i32
        %parallel_loop3A_313 = vector.broadcast %parallel_loop3A_312 : i32 to vector<16xi32>
        %parallel_loop3A_314 = arith.andi %parallel_loop3A_266, %parallel_loop3A_313 : vector<16xi32>
        %parallel_loop3A_315 = tpu.vector_load_idx %arg5[%parallel_loop3A_311, %parallel_loop3A_314] : memref<800x128xf32, #tpu.memory_space<vmem>>[vector<16xi32>, vector<16xi32>], vector<16xf32>,
        %parallel_loop3A_316 = arith.index_cast %parallel_loop3A_290 : i32 to index
        %parallel_loop3A_317 = arith.index_cast %parallel_loop3A_308 : i32 to index
        %parallel_loop3A_318 = tpu.vector_load %arg9[%parallel_loop3A_316, %parallel_loop3A_317] {strides = array<i32>} : memref<64x64xf32, #tpu.memory_space<vmem>>, vector<16xf32>,
        tpu.vector_store %arg9[%parallel_loop3A_316, %parallel_loop3A_317], %parallel_loop3A_315 {strides = array<i32>} : memref<64x64xf32, #tpu.memory_space<vmem>>, vector<16xf32>,
      } {sc.loop_unroll_factor = 16 : i64, sc.parallel_access}
      %jit3A_173 = arith.constant 64 : i32
      %div3A_174 = arith.divsi %add3A_61, %jit3A_173 : i32
      %sign3A_175 = arith.constant 0 : i32
      %sign3A_176 = arith.cmpi sgt, %add3A_61, %sign3A_175 : i32
      %sign3A_177 = arith.extui %sign3A_176 : i1 to i32
      %sign3A_178 = arith.constant 0 : i32
      %sign3A_179 = arith.cmpi slt, %add3A_61, %sign3A_178 : i32
      %sign3A_180 = arith.extui %sign3A_179 : i1 to i32
      %sign3A_181 = arith.subi %sign3A_177, %sign3A_180 : i32
      %sign3A_182 = arith.constant 0 : i32
      %sign3A_183 = arith.cmpi sgt, %jit3A_173, %sign3A_182 : i32
      %sign3A_184 = arith.extui %sign3A_183 : i1 to i32
      %sign3A_185 = arith.constant 0 : i32
      %sign3A_186 = arith.cmpi slt, %jit3A_173, %sign3A_185 : i32
      %sign3A_187 = arith.extui %sign3A_186 : i1 to i32
      %sign3A_188 = arith.subi %sign3A_184, %sign3A_187 : i32
      %ne3A_189 = arith.cmpi ne, %sign3A_181, %sign3A_188 : i32
      %rem3A_190 = arith.remsi %add3A_61, %jit3A_173 : i32
      %ne3A_191 = arith.constant 0 : i32
      %ne3A_192 = arith.cmpi ne, %rem3A_190, %ne3A_191 : i32
      %and3A_193 = arith.andi %ne3A_189, %ne3A_192 : i1
      %sub3A_194 = arith.constant 1 : i32
      %sub3A_195 = arith.subi %div3A_174, %sub3A_194 : i32
      %select_n3A_196 = arith.select %and3A_193, %sub3A_195, %div3A_174 : i32
      %jit3A_197 = arith.constant 64 : i32
      %eq3A_198 = arith.constant 0 : i32
      %eq3A_199 = arith.cmpi eq, %jit3A_197, %eq3A_198 : i32
      %jit3A_200 = arith.constant 1 : i32
      %select_n3A_201 = arith.select %eq3A_199, %jit3A_200, %jit3A_197 : i32
      %rem3A_202 = arith.remsi %add3A_61, %select_n3A_201 : i32
      %ne3A_203 = arith.constant 0 : i32
      %ne3A_204 = arith.cmpi ne, %rem3A_202, %ne3A_203 : i32
      %lt3A_205 = arith.constant 0 : i32
      %lt3A_206 = arith.cmpi slt, %rem3A_202, %lt3A_205 : i32
      %lt3A_207 = arith.constant 0 : i32
      %lt3A_208 = arith.cmpi slt, %select_n3A_201, %lt3A_207 : i32
      %ne3A_209 = arith.xori %lt3A_206, %lt3A_208 : i1
      %and3A_210 = arith.andi %ne3A_209, %ne3A_204 : i1
      %add3A_211 = arith.addi %rem3A_202, %select_n3A_201 : i32
      %select_n3A_212 = arith.select %and3A_210, %add3A_211, %rem3A_202 : i32
      %dma_start3A_213 = arith.constant 0 : i32
      %dma_start3A_214 = arith.constant 0 : i32
      %dma_start3A_215 = tpu.memref_slice %arg4[%select_n3A_196, %add3A, %select_n3A_212, %dma_start3A_213, %dma_start3A_214] : memref<4x32x64x64x64xf32, #tpu.memory_space<hbm>> -> memref<1x1x1x64x64xf32, #tpu.memory_space<hbm>>
      %dma_start3A_216 = tpu.memref_squeeze %dma_start3A_215 : memref<1x1x1x64x64xf32, #tpu.memory_space<hbm>> -> memref<64x64xf32, #tpu.memory_space<hbm>>
      %dma_start3A_217 = arith.constant 0 : i32
      %dma_start3A_218 = arith.constant 0 : i32
      %dma_start3A_219 = tpu.memref_slice %arg4[%select_n3A_196, %add3A, %select_n3A_212, %dma_start3A_217, %dma_start3A_218] : memref<4x32x64x64x64xf32, #tpu.memory_space<hbm>> -> memref<1x1x1x64x64xf32, #tpu.memory_space<hbm>>
      %dma_start3A_220 = tpu.memref_squeeze %dma_start3A_219 : memref<1x1x1x64x64xf32, #tpu.memory_space<hbm>> -> memref<64x64xf32, #tpu.memory_space<hbm>>
      tpu.enqueue_dma source(%arg9 : memref<64x64xf32, #tpu.memory_space<vmem>>) target(%dma_start3A_220 : memref<64x64xf32, #tpu.memory_space<hbm>>) target_semaphore(%arg17 : memref<!tpu.dma_semaphore, #tpu.memory_space<semaphore_mem>>)
    }
    %scan3A_36 = arith.constant 128 : i32
    %dma_wait3A_37 = arith.constant 3 : i32
    %dma_wait3A_38 = arith.constant 62 : i32
    %dma_wait3A_39 = arith.constant 0 : i32
    %dma_wait3A_40 = arith.constant 0 : i32
    %dma_wait3A_41 = tpu.memref_slice %arg4[%dma_wait3A_37, %add3A, %dma_wait3A_38, %dma_wait3A_39, %dma_wait3A_40] : memref<4x32x64x64x64xf32, #tpu.memory_space<hbm>> -> memref<1x1x1x64x64xf32, #tpu.memory_space<hbm>>
    %dma_wait3A_42 = tpu.memref_squeeze %dma_wait3A_41 : memref<1x1x1x64x64xf32, #tpu.memory_space<hbm>> -> memref<64x64xf32, #tpu.memory_space<hbm>>
    %dma_wait3A_43 = arith.constant 0 : i32
    %dma_wait3A_44 = arith.constant 0 : i32
    %dma_wait3A_45 = tpu.memref_slice %arg4[%dma_wait3A_37, %add3A, %dma_wait3A_38, %dma_wait3A_43, %dma_wait3A_44] : memref<4x32x64x64x64xf32, #tpu.memory_space<hbm>> -> memref<1x1x1x64x64xf32, #tpu.memory_space<hbm>>
    %dma_wait3A_46 = tpu.memref_squeeze %dma_wait3A_45 : memref<1x1x1x64x64xf32, #tpu.memory_space<hbm>> -> memref<64x64xf32, #tpu.memory_space<hbm>>
    tpu.wait_dma2 semaphore(%arg16 : memref<!tpu.dma_semaphore, #tpu.memory_space<semaphore_mem>>) src(%arg8 : memref<64x64xf32, #tpu.memory_space<vmem>>) dst(%dma_wait3A_46 : memref<64x64xf32, #tpu.memory_space<hbm>>)
    %dma_wait3A_47 = arith.constant 3 : i32
    %dma_wait3A_48 = arith.constant 63 : i32
    %dma_wait3A_49 = arith.constant 0 : i32
    %dma_wait3A_50 = arith.constant 0 : i32
    %dma_wait3A_51 = tpu.memref_slice %arg4[%dma_wait3A_47, %add3A, %dma_wait3A_48, %dma_wait3A_49, %dma_wait3A_50] : memref<4x32x64x64x64xf32, #tpu.memory_space<hbm>> -> memref<1x1x1x64x64xf32, #tpu.memory_space<hbm>>
    %dma_wait3A_52 = tpu.memref_squeeze %dma_wait3A_51 : memref<1x1x1x64x64xf32, #tpu.memory_space<hbm>> -> memref<64x64xf32, #tpu.memory_space<hbm>>
    %dma_wait3A_53 = arith.constant 0 : i32
    %dma_wait3A_54 = arith.constant 0 : i32
    %dma_wait3A_55 = tpu.memref_slice %arg4[%dma_wait3A_47, %add3A, %dma_wait3A_48, %dma_wait3A_53, %dma_wait3A_54] : memref<4x32x64x64x64xf32, #tpu.memory_space<hbm>> -> memref<1x1x1x64x64xf32, #tpu.memory_space<hbm>>
    %dma_wait3A_56 = tpu.memref_squeeze %dma_wait3A_55 : memref<1x1x1x64x64xf32, #tpu.memory_space<hbm>> -> memref<64x64xf32, #tpu.memory_space<hbm>>
    tpu.wait_dma2 semaphore(%arg17 : memref<!tpu.dma_semaphore, #tpu.memory_space<semaphore_mem>>) src(%arg9 : memref<64x64xf32, #tpu.memory_space<vmem>>) dst(%dma_wait3A_56 : memref<64x64xf32, #tpu.memory_space<hbm>>)
    return
  }
}

module attributes {stable_mosaic.version = 14 : i64} {
  func.func @body(%arg0: i32, %arg1: memref<32x4096xf32, #tpu.memory_space<vmem>>, %arg2: memref<32x32x128xf32, #tpu.memory_space<vmem>>) attributes {dimension_semantics = [#tpu.dimension_semantics<arbitrary>], iteration_bounds = array<i64: 25>, scalar_prefetch = 0 : i64, scratch_operands = 0 : i64, tpu.core_type = #tpu.core_type<tc>, window_params = [{transform_indices = @transform_0, window_bounds = array<i64: 32, 4096>}, {transform_indices = @transform_1, window_bounds = array<i64: 32, 32, 128>}]} {
    %get3A = arith.constant 0 : index
    %get3A_0 = arith.constant 0 : index
    %get3A_1 = vector.load %arg1[%get3A, %get3A_0] : memref<32x4096xf32, #tpu.memory_space<vmem>>, vector<32x4096xf32>
    %reshape3A = vector.shape_cast %get3A_1 : vector<32x4096xf32> to vector<32x32x128xf32>
    %swap3A = arith.constant 0 : index
    %swap3A_2 = arith.constant 0 : index
    %swap3A_3 = arith.constant 0 : index
    %swap3A_4 = vector.load %arg2[%swap3A, %swap3A_2, %swap3A_3] : memref<32x32x128xf32, #tpu.memory_space<vmem>>, vector<32x32x128xf32>
    tpu.vector_store %arg2[%swap3A, %swap3A_2, %swap3A_3], %reshape3A {strides = array<i32>} : memref<32x32x128xf32, #tpu.memory_space<vmem>>, vector<32x32x128xf32>,
    return
  }
  func.func @transform_0(%arg0: i32) -> (i32, i32) {
    %c0_i32 = arith.constant 0 : i32
    %c0_i32_0 = arith.constant 0 : i32
    return %c0_i32, %arg0 : i32, i32
  }
  func.func @transform_1(%arg0: i32) -> (i32, i32, i32) {
    %c0_i32 = arith.constant 0 : i32
    %c0_i32_0 = arith.constant 0 : i32
    %c0_i32_1 = arith.constant 0 : i32
    return %c0_i32, %arg0, %c0_i32_0 : i32, i32, i32
  }
}

</mosaic_0001>

<sc_bundles>
// kernel: kernel.4.cloned.1.call-start
scs
__scs_entry_jumppad:
0x0: {  	(pc) =	sbr.rel $0x88, $3  }
0x1: {  	(tag) =	ssettag $0x0;
	lr =	simm.s32 $0x1  }
0x2: {  	[smem:$0x3F9F] =	sst lr;
	_ =	strace $0xD0000000  }
0x3: {  	_ = 	snop  }
0x4: {  	_ = 	snop  }
0x5: {  	_ = 	snop  }
0x6: {  	_ = 	snop  }
0x7: {  	_ = 	snop  }
__scs_overlays_trampoline_lowered:
0x8: {  	[smem:$0x3FAE] =	sst s0  }
0x9: {  	[smem:$0x3FAF] =	sst s1  }
0xa: {  	[smem:$0x3FB0] =	sst s2  }
0xb: {  	[smem:$0x3FB1] =	sst s3  }
0xc: {  	[smem:$0x3FB2] =	sst s4  }
0xd: {  	[smem:$0x3FB3] =	sst s5  }
0xe: {  	[smem:$0x3FB4] =	sst s6  }
0xf: {  	[smem:$0x3FB5] =	sst s7  }
0x10: {  	[smem:$0x3FB6] =	sst s8  }
0x11: {  	[smem:$0x3FB7] =	sst s9;
	s0 =	simm.s32 @!p0 $0x0  }
0x12: {  	s1 =	sld [smem:$0x3F9D];
	s0 =	simm.s32 @p0 $0x1  }
0x13: {  	[smem:$0x3FB8] =	sst s0;
	s0 =	simm.s32 @!p1 $0x0  }
0x14: {  	s2 =	sld [smem:$0x3F9C];
	s0 =	simm.s32 @p1 $0x1  }
0x15: {  	[smem:$0x3FB9] =	sst s0;
	s0 =	simm.s32 @!p2 $0x0  }
0x16: {  	s3 =	sld [smem:$0x3FDB];
	s0 =	simm.s32 @p2 $0x1  }
0x17: {  	s4 =	simm.s32 $0x1BF5;
	[smem:$0x3FBB] =	sst s0  }
0x18: {  	s0 =	sld [smem:$0x3F9E];
	_ =	swait.ge [sflag:s4], $0x0  }
0x19: {  	s7 =	sld [smem:$0x3F9F]  }
0x1a: {  	s8 =	sadd.s32 $0xFFFFE003, lr  }
0x1b: {  	s9 =	sadd.s32 $0xFFFFFEF7, lr;
	s5 =	simm.s32 $0xFFFFFFFF;
	p2 =	slt.u32 s8, $0xFFFFF086  }
0x1c: {  	p1 =	slt.u32 s9, $0xF7A;
	s5 =	simm.s32 @!p2 $0x0  }
0x1d: {  	s5 =	simm.s32 @p1 $0x1;
	p0 =	seq.s32 s7, s2  }
0x1e: {  	s7 =	smul.u32 @!p0 $0xF7A, s2;
	p2 =	seq.s32 @!p0 s5, $0x0  }
0x1f: {  	s9 =	smul.u32 $0xF7A, s1;
	s8 =	simm.s32 @!p0 $0x1BF5;
	p2 =	por !p2, p0  }
0x20: {  	[sflag:s8] =	ssyncset.s32 @!p0 $0xFFFFF086;
	s6 =	sadd.s32 @!p0 s3, s7;
	s7 =	simm.s32 @!p0 $0x108  }
0x21: {  	s3 =	sadd.s32 s3, s9;
	s6 =	sadd.s32 @!p0 $0x88, s6;
	s7 =	simm.s32 @p2 $0x1082  }
0x22: {  	[simem:s7], [sflag:s8] =	dma.local @!p0 [hbm:s6], $0xF7A  }
0x23: {  	s9 =	sor.u32 $0xD0000000, s2;
	s6 =	simm.s32 $0x108;
	_ =	swait.ge @!p0 [sflag:s8], $0x0  }
0x24: {  	s3 =	sadd.s32 $0x88, s3;
	s6 =	simm.s32 @!p1 $0x1082;
	[sflag:s4] =	ssyncset.s32 $0xFFFFF086  }
0x25: {  	[simem:s6], [sflag:s4] =	dma.local [hbm:s3], $0xF7A  }
0x26: {  	[smem:$0x3F9F] =	sst s1;
	(tag) =	ssettag s2;
	_ =	strace s9  }
0x27: {  	s1 =	sld [smem:$0x3FAF]  }
0x28: {  	s2 =	sld [smem:$0x3FB0]  }
0x29: {  	s4 =	sld [smem:$0x3FB2]  }
0x2a: {  	p0 =	seq.s32 s5, $0x0;
	s5 =	sld [smem:$0x3FB3]  }
0x2b: {  	s6 =	sld [smem:$0x3FB4]  }
0x2c: {  	s7 =	sld [smem:$0x3FB5]  }
0x2d: {  	s3 =	simm.s32 $0x108;
	s8 =	sld [smem:$0x3FB6]  }
0x2e: {  	s3 =	simm.s32 @!p0 $0x1082;
	s9 =	sld [smem:$0x3FB7]  }
0x2f: {  	lr =	sadd.s32 s0, s3;
	s0 =	sld [smem:$0x3FAE]  }
0x30: {  	s3 =	sld [smem:$0x3FB1]  }
0x31: {  	[smem:$0x3FBA] =	sst s10  }
0x32: {  	s10 =	sld [smem:$0x3FB8];
	_ =	sdelay $0x3  }
0x33: {  	p0 =	seq.s32 s10, $0x1;
	s10 =	sld [smem:$0x3FBA];
	_ =	sdelay $0x3  }
0x34: {  	[smem:$0x3FBA] =	sst s10  }
0x35: {  	s10 =	sld [smem:$0x3FB9];
	_ =	sdelay $0x3  }
0x36: {  	p1 =	seq.s32 s10, $0x1;
	s10 =	sld [smem:$0x3FBA];
	_ =	sdelay $0x3  }
0x37: {  	[smem:$0x3FBA] =	sst s10  }
0x38: {  	s10 =	sld [smem:$0x3FBB]  }
0x39: {  	_ = 	snop;
	(pc) =	sbr.ind lr, $3  }
0x3a: {  	_ = 	snop  }
0x3b: {  	_ = 	snop  }
0x3c: {  	p2 =	seq.s32 s10, $0x1;
	s10 =	sld [smem:$0x3FBA]  }
0x3d: {  	_ =	shalt  }
0x3e: {  	_ =	shalt  }
0x3f: {  	_ =	shalt  }
0x40: {  	_ =	shalt  }
0x41: {  	_ =	shalt  }
0x42: {  	_ =	shalt  }
0x43: {  	_ =	shalt  }
0x44: {  	_ =	shalt  }
0x45: {  	_ =	shalt  }
0x46: {  	_ =	shalt  }
0x47: {  	_ =	shalt  }
0x48: {  	_ =	shalt  }
0x49: {  	_ =	shalt  }
0x4a: {  	_ =	shalt  }
0x4b: {  	_ =	shalt  }
0x4c: {  	_ =	shalt  }
0x4d: {  	_ =	shalt  }
0x4e: {  	_ =	shalt  }
0x4f: {  	_ =	shalt  }
0x50: {  	_ =	shalt  }
0x51: {  	_ =	shalt  }
0x52: {  	_ =	shalt  }
0x53: {  	_ =	shalt  }
0x54: {  	_ =	shalt  }
0x55: {  	_ =	shalt  }
0x56: {  	_ =	shalt  }
0x57: {  	_ =	shalt  }
0x58: {  	_ =	shalt  }
0x59: {  	_ =	shalt  }
0x5a: {  	_ =	shalt  }
0x5b: {  	_ =	shalt  }
0x5c: {  	_ =	shalt  }
0x5d: {  	_ =	shalt  }
0x5e: {  	_ =	shalt  }
0x5f: {  	_ =	shalt  }
0x60: {  	_ =	shalt  }
0x61: {  	_ =	shalt  }
0x62: {  	_ =	shalt  }
0x63: {  	_ =	shalt  }
0x64: {  	_ =	shalt  }
0x65: {  	_ =	shalt  }
0x66: {  	_ =	shalt  }
0x67: {  	_ =	shalt  }
0x68: {  	_ =	shalt  }
0x69: {  	_ =	shalt  }
0x6a: {  	_ =	shalt  }
0x6b: {  	_ =	shalt  }
0x6c: {  	_ =	shalt  }
0x6d: {  	_ =	shalt  }
0x6e: {  	_ =	shalt  }
0x6f: {  	_ =	shalt  }
0x70: {  	_ =	shalt  }
0x71: {  	_ =	shalt  }
0x72: {  	_ =	shalt  }
0x73: {  	_ =	shalt  }
0x74: {  	_ =	shalt  }
0x75: {  	_ =	shalt  }
0x76: {  	_ =	shalt  }
0x77: {  	_ =	shalt  }
0x78: {  	_ =	shalt  }
0x79: {  	_ =	shalt  }
0x7a: {  	_ =	shalt  }
0x7b: {  	_ =	shalt  }
0x7c: {  	_ =	shalt  }
0x7d: {  	_ =	shalt  }
0x7e: {  	_ =	shalt  }
0x7f: {  	_ =	shalt  }
0x80: {  	_ =	shalt  }
0x81: {  	_ =	shalt  }
0x82: {  	_ =	shalt  }
0x83: {  	_ =	shalt  }
0x84: {  	_ =	shalt  }
0x85: {  	_ =	shalt  }
0x86: {  	_ =	shalt  }
0x87: {  	_ =	shalt  }
.Lfunc_end0:
.L_simem_size_0:
called_computation_lowered:
.L_overlay_start_0:
0x88: {  	s2 =	sld [smem:$0x3FD9]  }
0x89: {  	s3 =	sld [smem:$0x3FFE];
	_ =	sdelay $0x1  }
0x8a: {  	s1 =	srdreg.scid  }
0x8b: {  	s0 =	sand.u32 $0x1, s1  }
0x8c: {  	s17 =	sshll.u32 s0, $0xA;
	s2 =	sadd.s32 s3, s2  }
0x8d: {  	s2 =	sadd.s32 s2, s17  }
0x8e: {  	[smem:$0x3FC6] =	sst s2  }
0x8f: {  	_ = 	snop  }
0x90: {  	s2 =	sld [smem:$0x3FD0];
	(tm) =	ssettm $0x1  }
0x91: {  	s18 =	sld [smem:$0x3FFB];
	_ =	sdelay $0x3  }
0x92: {  	_ =	strace s18  }
0x93: {  	s3 =	sld [smem:$0x3FFC];
	_ =	sdelay $0x3  }
0x94: {  	_ =	strace s3  }
0x95: {  	s3 =	sld [smem:$0x3FFD];
	_ =	sdelay $0x3  }
0x96: {  	_ =	strace s3  }
0x97: {  	_ =	strace $0x8FFFFFFF  }
0x98: {  	s19 =	sld [smem:$0x3FDB];
	_ =	sdelay $0x1  }
0x99: {  	s4 =	simm.s32 $_scs_section_size  }
0x9a: {  	s5 =	simm.s32 $_size__tile_overlayer_lowered;
	s6 =	simm.s32 $_tile_overlayer_lowered  }
0x9b: {  	s22 =	simm.s32 $0x1BFF;
	s21 =	sshll.u32 s6, $0x1;
	s3 =	sadd.s32 s4, s19  }
0x9c: {  	s7 =	simm.s32 $0x0;
	s20 =	sshll.u32 s5, $0x1;
	s5 =	sadd.s32 s21, s3  }
0x9d: {  	[timem:s7], [sflag:s22] =	dma.local [hbm:s5], s20  }
0x9e: {  	_ =	swait.ge [sflag:s22], s20  }
0x9f: {  	s4 =	ssub.s32 $0x0, s20;
	[sflag:s22] =	ssyncset.done $0x0  }
0xa0: {  	[sflag:s22] =	ssyncadd.s32 s4;
	_ =	sdelay $0x1  }
0xa1: {  	s23 =	simm.s32 $0x1B8B  }
0xa2: {  	_ =	swait.ge [sflag:s23], $0x1  }
0xa3: {  	[sflag:s23] =	ssyncset.done $0x0  }
0xa4: {  	s25 =	simm.s32 $0x1B8E;
	s24 =	sld [smem:$0x3FFE];
	[sflag:s23] =	ssyncadd.s32 $0xFFFFFFFF  }
0xa5: {  	s26 =	simm.s32 $execute0_lowered;
	[smem:$0x3FD2] =	sst s25  }
0xa6: {  	s5 =	sshll.u32 s26, $0x1;
	_ =	strace $0x80000046;
	[dreg:$0x1] =	wrdreg $0xFFFFFFFF  }
0xa7: {  	s28 =	simm.s32 $_size_execute0_lowered;
	s3 =	sadd.s32 s3, s5;
	[dreg:$0x0] =	wrdreg $0x0  }
0xa8: {  	s5 =	sshll.u32 s28, $0x1;
	[dreg:$0x2] =	wrdreg s3  }
0xa9: {  	[dreg:$0x3] =	wrdreg s5  }
0xaa: {  	[dreg:$0x4] =	wrdreg $0xC0  }
0xab: {  	_ =	task [dreg:s7], $0x5FFFF  }
0xac: {  	[dreg:$0x1] =	wrdreg $0xFFFFFFFF  }
0xad: {  	[dreg:$0x0] =	wrdreg $0x60  }
0xae: {  	[dreg:$0x2] =	wrdreg s24  }
0xaf: {  	[dreg:$0x3] =	wrdreg s2  }
0xb0: {  	[dreg:$0x4] =	wrdreg $0x1F0000  }
0xb1: {  	[dreg:$0x5] =	wrdreg $0x9  }
0xb2: {  	_ =	task.clear_ibuf [dreg:s7], $0x6FFFF;
	_ =	strace $0x90000046  }
0xb3: {  	s29 =	simm.s32 $0x9;
	_ =	strace $0x80000048  }
0xb4: {  	_ =	swait.ge [sflag:s29], $0x1  }
0xb5: {  	[sflag:s29] =	ssyncadd.s32 $0xFFFFFFFF  }
0xb6: {  	_ =	strace $0x90000048  }
0xb7: {  	_ =	sfence  }
0xb8: {  	s30 =	sld [smem:$0x0];
	_ =	sdelay $0x2  }
0xb9: {  	s31 =	sshll.u32 s1, $0xD;
	s1 =	sshrl.u32 s1, $0x2  }
0xba: {  	s3 =	sand.u32 $0x4000, s31;
	s1 =	sadd.s32 s1, s30  }
0xbb: {  	s0 =	sor.u32 s3, s0;
	s1 =	sshll.u32 s1, $0x11  }
0xbc: {  	s0 =	sor.u32 s1, s0  }
0xbd: {  	s0 =	sadd.s32 $0x8F2B, s0  }
0xbe: {  	[sflag:s0] =	ssyncadd.remote.s32 $0x1  }
0xbf: {  	_ =	sfence.sel $0xFFFF  }
0xc0: {  	[dreg:$0x0] =	wrdreg $0xFFFFFFFF;
	(pc) =	sbr.abs _section_cstart, $3  }
0xc1: {  	[dreg:$0x1] =	wrdreg $0xFFFFFFFF  }
0xc2: {  	_ =	task.clear_ibuf [dreg:s7], $0x2FFFF;
	_ =	strace $0x9FFFFFFF  }
0xc3: {  	(tm) =	ssettm $0x7FFFFFFF  }
tec
execute0_lowered:
.L_overlay_start_1:
0x0: {  	(tag) =	ssettag $0x1  }
0x1: {  	s10 =	rddreg [dreg:$0x0]  }
0x2: {  	s0 =	rddreg [dreg:$0x1];
	s1 =	srdreg.scid  }
0x3: {  	s15 =	stileid.u32;
	s2 =	rddreg [dreg:$0x2]  }
0x4: {  	s3 =	simm.s32 $0x0;
	s16 =	simm.s32 $0x1A000;
	s17 =	simm.s32 $0x1B000  }
0x5: {  	s18 =	simm.s32 $0x5;
	s19 =	simm.s32 $0x1D000;
	s20 =	simm.s32 $0x6  }
0x6: {  	s21 =	simm.s32 $0x7;
	s4 =	sand.u32 $0x1, s1;
	s1 =	rddreg [dreg:$0x3]  }
0x7: {  	s22 =	simm.s32 $0x0;
	s5 =	sshll.u32 s15, $0x1;
	[smem:$0x7FF] =	sst s3  }
0x8: {  	s8 =	sadd.s32 $0xA00, s10;
	p1 =	seq.s32 s15, $0x0;
	p0 =	sne.s32 s15, $0x0  }
0x9: {  	s15 =	simm.s32 $0x4;
	s9 =	sor.u32 s4, s5;
	_ =	strace $0x80000047  }
0xa: {  	s6 =	ssub.s32 $0x2, s4;
	s4 =	sadd.s32 $0x600, s10;
	s13 =	sshrl.u32 @p1 s2, $0x3  }
0xb: {  	s5 =	smul.u32 $0x3200, s9;
	s7 =	sshrl.u32 s6, $0x1;
	s9 =	sshll.u32 s9, $0x13  }
0xc: {  	s12 =	ssub.s32 s6, s7;
	s6 =	sadd.s32 $0x1000, s2;
	s7 =	sadd.s32 $0x800, s10  }
0xd: {  	s11 =	sor.u32 $0x2000, s9;
	s5 =	sadd.s32 s5, s10;
	s10 =	sadd.s32 $0xC00, s10  }
0xe: {  	s12 =	smax.u32 s12, $0x1;
	s14 =	sshrl.u32 @p1 s6, $0x3;
	s5 =	sadd.s32 $0x20600, s5  }
.LBB2_1:
0xf: {  	[tilespmem:s3], [sflag:$0x1] =	stream.linear.gather [hbm4b:s5+s3], $0x19000, $0x38;
	[tilespmem:$0x1F200] =	vst v63  }
0x10: {  	s23 =	simm.s32 @p1 $0x1C02  }
0x11: {  	[spmem:s13], [sflag:s23] =	dma.local @p1 [hbm:s4], $0x200  }
0x12: {  	s23 =	simm.s32 @p1 $0x1  }
0x13: {  	_ =	swait.ge @p1 [sflag:s23], $0x19000  }
0x14: {  	[sflag:s23] =	ssyncset.done @p1 $0x0  }
0x15: {  	[sflag:s23] =	ssyncadd.s32 @p1 $0xFFFE7000;
	s23 =	simm.s32 @p1 $0x2  }
0x16: {  	_ =	swait.ge @p1 [sflag:s23], $0x200  }
0x17: {  	[sflag:s23] =	ssyncset.done @p1 $0x0  }
0x18: {  	[sflag:s23] =	ssyncadd.s32 @p1 $0xFFFFFE00  }
0x19: {  	s23 =	simm.s32 @p1 $0x19000;
	[bflag:$0x0] =	sbarrier.arrive @p1 $0xFFFF  }
0x1a: {  	[tilespmem:s23], [sflag:$0x4] =	stream.linear.gather @p1 [spmem:s2], $0x1000, $0x38;
	[tilespmem:$0x1F200] =	vst v63  }
0x1b: {  	s23 =	simm.s32 @p1 $0x1C03  }
0x1c: {  	[spmem:s14], [sflag:s23] =	dma.local @p1 [hbm:s7], $0x200  }
0x1d: {  	s23 =	simm.s32 @!p1 $0x1  }
0x1e: {  	_ =	swait.ge @!p1 [sflag:s23], $0x19000  }
0x1f: {  	[sflag:s23] =	ssyncset.done @!p1 $0x0  }
0x20: {  	[sflag:s23] =	ssyncadd.s32 @!p1 $0xFFFE7000  }
0x21: {  	s24 =	simm.s32 $0x0;
	s23 =	simm.s32 @!p1 $0x19000;
	[bflag:$0x0] =	sbarrier.arrive @!p1 $0xFFFF  }
0x22: {  	[tilespmem:s23], [sflag:$0x4] =	stream.linear.gather @!p1 [spmem:s2], $0x1000, $0x38;
	[tilespmem:$0x1F200] =	vst v63  }
.LBB2_2:
0x23: {  	s23 =	simm.s32 @!p0 $0x3  }
0x24: {  	_ =	swait.ge @!p0 [sflag:s23], $0x200  }
0x25: {  	[sflag:s23] =	ssyncset.done @!p0 $0x0  }
0x26: {  	[sflag:s23] =	ssyncadd.s32 @!p0 $0xFFFFFE00;
	s23 =	sadd.s32 $0x1, s24  }
0x27: {  	_ =	swait.ge [sflag:s15], $0x1000;
	p2 =	sne.s32 s23, $0x80  }
0x28: {  	[sflag:s15] =	ssyncset.done $0x0;
	p3 =	por !p1, !p2  }
0x29: {  	[sflag:s15] =	ssyncadd.s32 $0xFFFFF000;
	p3 =	por !p3, !p3  }
0x2a: {  	p4 =	seq.s32 s24, $0x0;
	[bflag:$0x0] =	sbarrier.arrive $0xFFFF;
	s25 =	sshll.u32 @p3 s24, $0xA  }
0x2b: {  	[tilespmem:s16], [sflag:$0x5] =	stream.linear.gather [spmem:s6], $0x1000, $0x38;
	[tilespmem:$0x1F200] =	vst v63  }
0x2c: {  	s26 =	sshrl.u32 @p3 s2, $0x3;
	s28 =	simm.s32 @p3 $0x1C02;
	s25 =	sadd.s32 @p3 s25, s8  }
0x2d: {  	[spmem:s26], [sflag:s28] =	dma.local @p3 [hbm:s25], $0x200  }
0x2e: {  	s25 =	simm.s32 @!p4 $0x6  }
0x2f: {  	_ =	swait.ge @!p4 [sflag:s25], $0x2000  }
0x30: {  	[sflag:s25] =	ssyncset.done @!p4 $0x0  }
0x31: {  	s31 =	simm.s32 $0x19080;
	[sflag:s25] =	ssyncadd.s32 @!p4 $0xFFFFE000  }
0x32: {  	v0 =	vld [tilespmem:s31+$0x70]  }
0x33: {  	v1 =	vld [tilespmem:s31+$0xFFFFFF90]  }
0x34: {  	v2 =	vld [tilespmem:s31+$0xFFFFFFA0]  }
0x35: {  	v3 =	vld [tilespmem:s31+$0xFFFFFFB0]  }
0x36: {  	v4 =	vld [tilespmem:s31+$0xFFFFFFC0]  }
0x37: {  	v5 =	vld [tilespmem:s31+$0xFFFFFFD0]  }
0x38: {  	v6 =	vld [tilespmem:s31+$0xFFFFFFE0]  }
0x39: {  	v7 =	vld [tilespmem:s31+$0xFFFFFFF0]  }
0x3a: {  	v8 =	vld [tilespmem:s31+$0x0]  }
0x3b: {  	v9 =	vld [tilespmem:s31+$0x10]  }
0x3c: {  	v10 =	vld [tilespmem:s31+$0x20]  }
0x3d: {  	v11 =	vld [tilespmem:s31+$0x30]  }
0x3e: {  	v12 =	vld [tilespmem:s31+$0x40]  }
0x3f: {  	v13 =	vld [tilespmem:s31+$0x50]  }
0x40: {  	v14 =	vld [tilespmem:s31+$0x60]  }
0x41: {  	v15 =	vld [tilespmem:s31+$0xFFFFFF80]  }
0x42: {  	v0 =	vld.idx.msk [tilespmem:v0+s3+$0x0], $0xffff  }
0x43: {  	v1 =	vld.idx.msk [tilespmem:v1+s3+$0x0], $0xffff  }
0x44: {  	v2 =	vld.idx.msk [tilespmem:v2+s3+$0x0], $0xffff  }
0x45: {  	v3 =	vld.idx.msk [tilespmem:v3+s3+$0x0], $0xffff  }
0x46: {  	v4 =	vld.idx.msk [tilespmem:v4+s3+$0x0], $0xffff  }
0x47: {  	s28 =	simm.s32 $0x1B100;
	v5 =	vld.idx.msk [tilespmem:v5+s3+$0x0], $0xffff  }
0x48: {  	[tilespmem:s28+$0xB0] =	vst v0;
	v0 =	vld.idx.msk [tilespmem:v6+s3+$0x0], $0xffff  }
0x49: {  	[tilespmem:s28+$0xFFFFFF10] =	vst v1;
	v1 =	vld.idx.msk [tilespmem:v7+s3+$0x0], $0xffff  }
0x4a: {  	v6 =	vld.idx.msk [tilespmem:v15+s3+$0x0], $0xffff;
	[tilespmem:s28+$0xFFFFFF20] =	vst v2  }
0x4b: {  	[tilespmem:s28+$0xFFFFFF30] =	vst v3;
	v7 =	vld.idx.msk [tilespmem:v8+s3+$0x0], $0xffff  }
0x4c: {  	[tilespmem:s28+$0xFFFFFF80] =	vst v4;
	v3 =	vld.idx.msk [tilespmem:v9+s3+$0x0], $0xffff  }
0x4d: {  	[tilespmem:s28+$0xFFFFFF90] =	vst v5;
	v4 =	vld.idx.msk [tilespmem:v10+s3+$0x0], $0xffff  }
0x4e: {  	v2 =	vld.idx.msk [tilespmem:v11+s3+$0x0], $0xffff;
	[tilespmem:s28+$0xFFFFFFA0] =	vst v0  }
0x4f: {  	v5 =	vld.idx.msk [tilespmem:v14+s3+$0x0], $0xffff;
	[tilespmem:s28+$0xFFFFFFB0] =	vst v1  }
0x50: {  	v0 =	vld.idx.msk [tilespmem:v12+s3+$0x0], $0xffff;
	[tilespmem:s28+$0xFFFFFF00] =	vst v6  }
0x51: {  	s29 =	simm.s32 $0x19180;
	s26 =	simm.s32 $0x0;
	s25 =	sshll.u32 s24, $0xE;
	v1 =	vld.idx.msk [tilespmem:v13+s3+$0x0], $0xffff;
	[tilespmem:s28+$0x0] =	vst v7  }
.LBB2_3:
0x52: {  	v6 =	vld [tilespmem:s29+$0x70];
	s26 =	sadd.s32 $0x10, s26;
	[tilespmem:s28+$0x10] =	vst v3  }
0x53: {  	v3 =	vld [tilespmem:s29+$0xFFFFFF90];
	p4 =	slt.u32 s26, $0xF0;
	[tilespmem:s28+$0x20] =	vst v4  }
0x54: {  	v4 =	vld [tilespmem:s29+$0xFFFFFFA0];
	[tilespmem:s28+$0x30] =	vst v2  }
0x55: {  	v2 =	vld [tilespmem:s29+$0xFFFFFFB0];
	[tilespmem:s28+$0x80] =	vst v0  }
0x56: {  	v0 =	vld [tilespmem:s29+$0xFFFFFFC0];
	[tilespmem:s28+$0x90] =	vst v1  }
0x57: {  	v1 =	vld [tilespmem:s29+$0xFFFFFFD0];
	[tilespmem:s28+$0xA0] =	vst v5  }
0x58: {  	v5 =	vld [tilespmem:s29+$0xFFFFFFE0]  }
0x59: {  	v7 =	vld [tilespmem:s29+$0xFFFFFFF0]  }
0x5a: {  	v6 =	vld.idx.msk [tilespmem:v6+s3+$0x0], $0xffff  }
0x5b: {  	v8 =	vld [tilespmem:s29+$0x0]  }
0x5c: {  	v9 =	vld [tilespmem:s29+$0x10]  }
0x5d: {  	v10 =	vld [tilespmem:s29+$0x20]  }
0x5e: {  	v11 =	vld [tilespmem:s29+$0x30]  }
0x5f: {  	s28 =	sadd.s32 $0x200, s28;
	v12 =	vld [tilespmem:s29+$0x40]  }
0x60: {  	v13 =	vld [tilespmem:s29+$0x50];
	[tilespmem:s28+$0xB0] =	vst v6  }
0x61: {  	v6 =	vld [tilespmem:s29+$0x60]  }
0x62: {  	v14 =	vld [tilespmem:s29+$0xFFFFFF80]  }
0x63: {  	v3 =	vld.idx.msk [tilespmem:v3+s3+$0x0], $0xffff  }
0x64: {  	v4 =	vld.idx.msk [tilespmem:v4+s3+$0x0], $0xffff  }
0x65: {  	v2 =	vld.idx.msk [tilespmem:v2+s3+$0x0], $0xffff  }
0x66: {  	v0 =	vld.idx.msk [tilespmem:v0+s3+$0x0], $0xffff  }
0x67: {  	v1 =	vld.idx.msk [tilespmem:v1+s3+$0x0], $0xffff  }
0x68: {  	v5 =	vld.idx.msk [tilespmem:v5+s3+$0x0], $0xffff  }
0x69: {  	[tilespmem:s28+$0xFFFFFF10] =	vst v3;
	v7 =	vld.idx.msk [tilespmem:v7+s3+$0x0], $0xffff  }
0x6a: {  	v14 =	vld.idx.msk [tilespmem:v14+s3+$0x0], $0xffff;
	[tilespmem:s28+$0xFFFFFF20] =	vst v4  }
0x6b: {  	[tilespmem:s28+$0xFFFFFF30] =	vst v2;
	v8 =	vld.idx.msk [tilespmem:v8+s3+$0x0], $0xffff  }
0x6c: {  	[tilespmem:s28+$0xFFFFFF80] =	vst v0;
	v3 =	vld.idx.msk [tilespmem:v9+s3+$0x0], $0xffff  }
.Ltmp0:
0x6d: {  	[tilespmem:s28+$0xFFFFFF90] =	vst v1;
	v4 =	vld.idx.msk [tilespmem:v10+s3+$0x0], $0xffff;
	(pc) =	sbr.rel @p4 .LBB2_3-.Ltmp0, $4  }
0x6e: {  	[tilespmem:s28+$0xFFFFFFA0] =	vst v5;
	v2 =	vld.idx.msk [tilespmem:v11+s3+$0x0], $0xffff  }
0x6f: {  	[tilespmem:s28+$0xFFFFFFB0] =	vst v7;
	v0 =	vld.idx.msk [tilespmem:v12+s3+$0x0], $0xffff  }
0x70: {  	[tilespmem:s28+$0xFFFFFF00] =	vst v14;
	v1 =	vld.idx.msk [tilespmem:v13+s3+$0x0], $0xffff  }
0x71: {  	s29 =	sadd.s32 $0x100, s29;
	[tilespmem:s28+$0x0] =	vst v8;
	v5 =	vld.idx.msk [tilespmem:v6+s3+$0x0], $0xffff  }
0x72: {  	[tilespmem:s28+$0x10] =	vst v3  }
0x73: {  	[tilespmem:s28+$0x20] =	vst v4;
	s25 =	sand.u32 $0x7C000, s25;
	s26 =	sshll.u32 s24, $0x13  }
0x74: {  	[tilespmem:s28+$0x30] =	vst v2;
	s26 =	sand.u32 $0x3000000, s26;
	s29 =	sor.u32 s9, s25  }
0x75: {  	[tilespmem:s28+$0x80] =	vst v0;
	s29 =	sor.u32 s26, s29  }
0x76: {  	[tilespmem:s28+$0x90] =	vst v1;
	s29 =	sshrl.u32 s29, $0x3  }
0x77: {  	[tilespmem:s28+$0xA0] =	vst v5;
	s28 =	sadd.s32 s0, s29  }
0x78: {  	[hbm4b:s28+s3] =	stream.linear.scatter [tilespmem:s17], [sflag:$0x6], $0x2000, $0x38;
	[tilespmem:$0x1F200] =	vst v63  }
0x79: {  	s28 =	simm.s32 @p3 $0x2  }
0x7a: {  	_ =	swait.ge @p3 [sflag:s28], $0x200  }
0x7b: {  	[sflag:s28] =	ssyncset.done @p3 $0x0  }
0x7c: {  	[sflag:s28] =	ssyncadd.s32 @p3 $0xFFFFFE00  }
0x7d: {  	_ =	swait.ge [sflag:s18], $0x1000  }
0x7e: {  	[sflag:s18] =	ssyncset.done $0x0  }
0x7f: {  	p4 =	seq.s32 s23, $0x80;
	[sflag:s18] =	ssyncadd.s32 $0xFFFFF000  }
0x80: {  	s28 =	simm.s32 @!p4 $0x19000;
	p3 =	por !p3, p4;
	[bflag:$0x0] =	sbarrier.arrive $0xFFFF  }
0x81: {  	[tilespmem:s28], [sflag:$0x4] =	stream.linear.gather @!p4 [spmem:s2], $0x1000, $0x38;
	[tilespmem:$0x1F200] =	vst v63  }
0x82: {  	s28 =	sshll.u32 @!p3 s24, $0xA  }
0x83: {  	s29 =	sshrl.u32 @!p3 s6, $0x3;
	s30 =	simm.s32 @!p3 $0x1C03;
	s28 =	sadd.s32 @!p3 s28, s10  }
0x84: {  	[spmem:s29], [sflag:s30] =	dma.local @!p3 [hbm:s28], $0x200  }
0x85: {  	p3 =	seq.s32 @!p4 s24, $0x0  }
0x86: {  	p3 =	por p4, !p3  }
0x87: {  	_ =	swait.ge @p3 [sflag:s21], $0x2000  }
0x88: {  	[sflag:s21] =	ssyncset.done @p3 $0x0  }
0x89: {  	s31 =	simm.s32 $0x1A080;
	[sflag:s21] =	ssyncadd.s32 @p3 $0xFFFFE000  }
0x8a: {  	v0 =	vld [tilespmem:s31+$0x70]  }
0x8b: {  	v1 =	vld [tilespmem:s31+$0xFFFFFF90]  }
0x8c: {  	v2 =	vld [tilespmem:s31+$0xFFFFFFA0]  }
0x8d: {  	v3 =	vld [tilespmem:s31+$0xFFFFFFB0]  }
0x8e: {  	v4 =	vld [tilespmem:s31+$0xFFFFFFC0]  }
0x8f: {  	v5 =	vld [tilespmem:s31+$0xFFFFFFD0]  }
0x90: {  	v6 =	vld [tilespmem:s31+$0xFFFFFFE0]  }
0x91: {  	v7 =	vld [tilespmem:s31+$0xFFFFFFF0]  }
0x92: {  	v8 =	vld [tilespmem:s31+$0x0]  }
0x93: {  	v9 =	vld [tilespmem:s31+$0x10]  }
0x94: {  	v10 =	vld [tilespmem:s31+$0x20]  }
0x95: {  	v11 =	vld [tilespmem:s31+$0x30]  }
0x96: {  	v12 =	vld [tilespmem:s31+$0x40]  }
0x97: {  	v13 =	vld [tilespmem:s31+$0x50]  }
0x98: {  	v14 =	vld [tilespmem:s31+$0x60]  }
0x99: {  	v15 =	vld [tilespmem:s31+$0xFFFFFF80]  }
0x9a: {  	v0 =	vld.idx.msk [tilespmem:v0+s3+$0x0], $0xffff  }
0x9b: {  	v1 =	vld.idx.msk [tilespmem:v1+s3+$0x0], $0xffff  }
0x9c: {  	v2 =	vld.idx.msk [tilespmem:v2+s3+$0x0], $0xffff  }
0x9d: {  	v3 =	vld.idx.msk [tilespmem:v3+s3+$0x0], $0xffff  }
0x9e: {  	v4 =	vld.idx.msk [tilespmem:v4+s3+$0x0], $0xffff  }
0x9f: {  	s24 =	simm.s32 $0x1D100;
	v5 =	vld.idx.msk [tilespmem:v5+s3+$0x0], $0xffff  }
0xa0: {  	v6 =	vld.idx.msk [tilespmem:v6+s3+$0x0], $0xffff;
	[tilespmem:s24+$0xB0] =	vst v0  }
0xa1: {  	v7 =	vld.idx.msk [tilespmem:v7+s3+$0x0], $0xffff;
	[tilespmem:s24+$0xFFFFFF10] =	vst v1  }
0xa2: {  	v15 =	vld.idx.msk [tilespmem:v15+s3+$0x0], $0xffff;
	[tilespmem:s24+$0xFFFFFF20] =	vst v2  }
0xa3: {  	v8 =	vld.idx.msk [tilespmem:v8+s3+$0x0], $0xffff;
	[tilespmem:s24+$0xFFFFFF30] =	vst v3  }
0xa4: {  	[tilespmem:s24+$0xFFFFFF80] =	vst v4;
	v0 =	vld.idx.msk [tilespmem:v9+s3+$0x0], $0xffff  }
0xa5: {  	[tilespmem:s24+$0xFFFFFF90] =	vst v5;
	v1 =	vld.idx.msk [tilespmem:v10+s3+$0x0], $0xffff  }
0xa6: {  	[tilespmem:s24+$0xFFFFFFA0] =	vst v6;
	v2 =	vld.idx.msk [tilespmem:v11+s3+$0x0], $0xffff  }
0xa7: {  	[tilespmem:s24+$0xFFFFFFB0] =	vst v7;
	v3 =	vld.idx.msk [tilespmem:v12+s3+$0x0], $0xffff  }
0xa8: {  	[tilespmem:s24+$0xFFFFFF00] =	vst v15;
	v4 =	vld.idx.msk [tilespmem:v13+s3+$0x0], $0xffff  }
0xa9: {  	s28 =	simm.s32 $0x0;
	s29 =	simm.s32 $0x1A180;
	[tilespmem:s24+$0x0] =	vst v8;
	v5 =	vld.idx.msk [tilespmem:v14+s3+$0x0], $0xffff  }
.LBB2_5:
0xaa: {  	v6 =	vld [tilespmem:s29+$0x70];
	s28 =	sadd.s32 $0x10, s28;
	[tilespmem:s24+$0x10] =	vst v0  }
0xab: {  	v0 =	vld [tilespmem:s29+$0xFFFFFF90];
	p3 =	slt.u32 s28, $0xF0;
	[tilespmem:s24+$0x20] =	vst v1  }
0xac: {  	v1 =	vld [tilespmem:s29+$0xFFFFFFA0];
	[tilespmem:s24+$0x30] =	vst v2  }
0xad: {  	v2 =	vld [tilespmem:s29+$0xFFFFFFB0];
	[tilespmem:s24+$0x80] =	vst v3  }
0xae: {  	v3 =	vld [tilespmem:s29+$0xFFFFFFC0];
	[tilespmem:s24+$0x90] =	vst v4  }
0xaf: {  	v4 =	vld [tilespmem:s29+$0xFFFFFFD0];
	[tilespmem:s24+$0xA0] =	vst v5  }
0xb0: {  	v5 =	vld [tilespmem:s29+$0xFFFFFFE0]  }
0xb1: {  	v7 =	vld [tilespmem:s29+$0xFFFFFFF0]  }
0xb2: {  	v6 =	vld.idx.msk [tilespmem:v6+s3+$0x0], $0xffff  }
0xb3: {  	v8 =	vld [tilespmem:s29+$0x0]  }
0xb4: {  	v9 =	vld [tilespmem:s29+$0x10]  }
0xb5: {  	v10 =	vld [tilespmem:s29+$0x20]  }
0xb6: {  	v11 =	vld [tilespmem:s29+$0x30]  }
0xb7: {  	s24 =	sadd.s32 $0x200, s24;
	v12 =	vld [tilespmem:s29+$0x40]  }
0xb8: {  	v13 =	vld [tilespmem:s29+$0x50];
	[tilespmem:s24+$0xB0] =	vst v6  }
0xb9: {  	v6 =	vld [tilespmem:s29+$0x60]  }
0xba: {  	v14 =	vld [tilespmem:s29+$0xFFFFFF80]  }
0xbb: {  	v0 =	vld.idx.msk [tilespmem:v0+s3+$0x0], $0xffff  }
0xbc: {  	v1 =	vld.idx.msk [tilespmem:v1+s3+$0x0], $0xffff  }
0xbd: {  	v2 =	vld.idx.msk [tilespmem:v2+s3+$0x0], $0xffff  }
0xbe: {  	v3 =	vld.idx.msk [tilespmem:v3+s3+$0x0], $0xffff  }
0xbf: {  	v4 =	vld.idx.msk [tilespmem:v4+s3+$0x0], $0xffff  }
0xc0: {  	v5 =	vld.idx.msk [tilespmem:v5+s3+$0x0], $0xffff  }
0xc1: {  	[tilespmem:s24+$0xFFFFFF10] =	vst v0;
	v7 =	vld.idx.msk [tilespmem:v7+s3+$0x0], $0xffff  }
0xc2: {  	v14 =	vld.idx.msk [tilespmem:v14+s3+$0x0], $0xffff;
	[tilespmem:s24+$0xFFFFFF20] =	vst v1  }
0xc3: {  	[tilespmem:s24+$0xFFFFFF30] =	vst v2;
	v8 =	vld.idx.msk [tilespmem:v8+s3+$0x0], $0xffff  }
0xc4: {  	[tilespmem:s24+$0xFFFFFF80] =	vst v3;
	v0 =	vld.idx.msk [tilespmem:v9+s3+$0x0], $0xffff  }
.Ltmp1:
0xc5: {  	[tilespmem:s24+$0xFFFFFF90] =	vst v4;
	v1 =	vld.idx.msk [tilespmem:v10+s3+$0x0], $0xffff;
	(pc) =	sbr.rel @p3 .LBB2_5-.Ltmp1, $4  }
0xc6: {  	[tilespmem:s24+$0xFFFFFFA0] =	vst v5;
	v2 =	vld.idx.msk [tilespmem:v11+s3+$0x0], $0xffff  }
0xc7: {  	[tilespmem:s24+$0xFFFFFFB0] =	vst v7;
	v3 =	vld.idx.msk [tilespmem:v12+s3+$0x0], $0xffff  }
0xc8: {  	[tilespmem:s24+$0xFFFFFF00] =	vst v14;
	v4 =	vld.idx.msk [tilespmem:v13+s3+$0x0], $0xffff  }
0xc9: {  	s29 =	sadd.s32 $0x100, s29;
	[tilespmem:s24+$0x0] =	vst v8;
	v5 =	vld.idx.msk [tilespmem:v6+s3+$0x0], $0xffff  }
0xca: {  	[tilespmem:s24+$0x10] =	vst v0  }
0xcb: {  	[tilespmem:s24+$0x20] =	vst v1  }
.Ltmp2:
0xcc: {  	s25 =	sor.u32 s11, s25;
	[tilespmem:s24+$0x30] =	vst v2;
	(pc) =	sbr.rel @p2 .LBB2_2-.Ltmp2, $4  }
0xcd: {  	s25 =	sor.u32 s26, s25;
	[tilespmem:s24+$0x80] =	vst v3  }
0xce: {  	s25 =	sshrl.u32 s25, $0x3;
	[tilespmem:s24+$0x90] =	vst v4  }
0xcf: {  	s31 =	sadd.s32 s0, s25;
	[tilespmem:s24+$0xA0] =	vst v5;
	s24 =	smov.u32 s23  }
0xd0: {  	[hbm4b:s31+s3] =	stream.linear.scatter [tilespmem:s19], [sflag:$0x7], $0x2000, $0x38;
	[tilespmem:$0x1F200] =	vst v63  }
0xd1: {  	s22 =	sadd.s32 $0x1, s22  }
0xd2: {  	_ =	swait.ge [sflag:s20], $0x2000;
	p2 =	sne.s32 s22, s12  }
.Ltmp3:
0xd3: {  	[sflag:s20] =	ssyncset.done $0x0;
	(pc) =	sbr.rel @p2 .LBB2_1-.Ltmp3, $4  }
0xd4: {  	[sflag:s20] =	ssyncadd.s32 $0xFFFFE000  }
0xd5: {  	_ =	swait.ge [sflag:s21], $0x2000  }
0xd6: {  	[sflag:s21] =	ssyncset.done $0x0  }
0xd7: {  	[sflag:s21] =	ssyncadd.s32 $0xFFFFE000  }
0xd8: {  	_ =	sfence.sel $0x180000  }
0xd9: {  	[bflag:$0x0] =	sbarrier.arrive $0xFFFF  }
0xda: {  	_ =	strace $0x90000047  }
0xdb: {  	s0 =	sadd.s32 @!p0 $0x100000, s1;
	[bflag:$0x2] =	sbarrier.arrive $0xFFFF  }
0xdc: {  	[sflag:s0] =	ssyncadd.tile.s32 @!p0 $0x1;
	_ =	shalt  }
.Lfunc_end2:
_tile_overlayer_lowered:
.L_overlay_start_2:
0xdd: {  	(tag) =	ssettag $0x2  }
0xde: {  	s0 =	rddreg [dreg:$0x0];
	s2 =	stileid.u32  }
0xdf: {  	s1 =	rddreg [dreg:$0x1];
	p0 =	sne.s32 s2, $0x0  }
0xe0: {  	s3 =	rddreg [dreg:$0x2];
	[bflag:$0x3] =	sbarrier.arrive $0xFFFF;
	s2 =	simm.s32 @!p0 $0x1C08  }
0xe1: {  	[timem:s3], [sflag:s2] =	dma.local @!p0 [hbm:s0], s1  }
0xe2: {  	s0 =	simm.s32 @!p0 $0x8  }
0xe3: {  	_ =	swait.ge @!p0 [sflag:s0], s1  }
0xe4: {  	s1 =	ssub.s32 @!p0 $0x0, s1;
	[sflag:s0] =	ssyncset.done @!p0 $0x0  }
0xe5: {  	[sflag:s0] =	ssyncadd.s32 @!p0 s1  }
0xe6: {  	[bflag:$0x3] =	sbarrier.arrive $0xFFFF  }
0xe7: {  	_ =	shalt  }

</sc_bundles>
